<compile_context>
chip_gen: v7x
topology: tpu7x:2x2x1
jax: 0.10.2.dev20260603
libtpu: 0.0.44.dev20260713+nightly
codegen_flags: <defaults>
</compile_context>

<pallas_src>
import functools

import jax
import jax.numpy as jnp
from jax import lax
from jax.experimental import pallas as pl
from jax.experimental.pallas import tpu as pltpu
from jax.experimental.pallas import tpu_sc as plsc

MARGIN = 2.5
LAMBDA_SPREAD = 0.5

NC = 2
NS = 16
L = 16


def _fill2d(ref, value):
  rows, cols = ref.shape
  vec = jnp.full((L,), value, dtype=jnp.float32)

  def body(r, carry):
    for c in range(cols // L):
      ref[r, pl.ds(c * L, L)] = vec
    return carry

  lax.fori_loop(0, rows, body, 0)


def _sc_segment_sums(features, labels, k_pad):
  batch, dim = features.shape
  nw = NC * NS
  b_per_w = batch // nw
  sub = 128
  nsub = b_per_w // sub
  stripe = k_pad // NS

  mesh = plsc.VectorSubcoreMesh(core_axis_name="c", subcore_axis_name="s")
  f32 = jnp.float32

  @functools.partial(
      pl.kernel,
      out_type=[
          jax.ShapeDtypeStruct((NC, k_pad, dim), f32),
          jax.ShapeDtypeStruct((NC, k_pad, dim), f32),
      ],
      mesh=mesh,
      scratch_types=[
          pltpu.VMEM((stripe, dim), f32),
      ] + [pltpu.VMEM((sub, dim), f32) for _ in range(3)]
        + [pltpu.VMEM((sub, dim), f32) for _ in range(3)]
        + [pltpu.VMEM((sub,), jnp.int32) for _ in range(nsub)]
        + [pltpu.SemaphoreType.DMA for _ in range(9)] + [
          pltpu.VMEM_SHARED((k_pad, dim), f32),
          pltpu.VMEM_SHARED((k_pad, dim), f32),
      ],
  )
  def sc(feats_hbm, labels_hbm, s_out, s2_out, zbuf, *rest):
    fbufs = rest[:3]
    sqbufs = rest[3:6]
    lab_refs = rest[6:6 + nsub]
    sems = rest[6 + nsub:6 + nsub + 9]
    lsems, fsems, qsems = sems[0:3], sems[3:6], sems[6:9]
    shared_s, shared_s2 = rest[6 + nsub + 9:]
    cid = lax.axis_index("c")
    sid = lax.axis_index("s")

    base = (cid * NS + sid) * b_per_w
    for j in range(nsub):
      pltpu.sync_copy(labels_hbm.at[pl.ds(base + j * sub, sub)], lab_refs[j])

    loads = [None] * nsub
    for j in range(min(3, nsub)):
      loads[j] = pltpu.async_copy(
          feats_hbm.at[pl.ds(base + j * sub, sub)], fbufs[j], lsems[j])

    _fill2d(zbuf, 0.0)

    row0 = sid * stripe
    pltpu.sync_copy(zbuf, shared_s.at[pl.ds(row0, stripe)])
    pltpu.sync_copy(zbuf, shared_s2.at[pl.ds(row0, stripe)])
    plsc.subcore_barrier()

    lane = lax.iota(jnp.int32, L)
    shift_idx = (lane + (L - 1)) & (L - 1)

    scats = [None] * nsub
    for j in range(nsub):
      b = j % 3
      loads[j].wait()

      fscat = pltpu.async_copy(fbufs[b], shared_s.at[lab_refs[j]], fsems[b],
                               add=True)

      def sq_body(r, carry, fb=fbufs[b], qb=sqbufs[b]):
        v0 = fb[r, pl.ds(0, L)]
        sq0 = v0 * v0
        sh = sq0.at[shift_idx].get(mode="promise_in_bounds")
        merged = jnp.where(lane == 1, sq0 + sh, sq0)
        qb[r, pl.ds(0, L)] = jnp.where(lane == 0, 1.0, merged)
        for c in range(1, dim // L):
          v = fb[r, pl.ds(c * L, L)]
          qb[r, pl.ds(c * L, L)] = v * v
        return carry

      lax.fori_loop(0, sub, sq_body, 0)

      scats[j] = (
          fscat,
          pltpu.async_copy(sqbufs[b], shared_s2.at[lab_refs[j]], qsems[b],
                           add=True),
      )

      if j + 3 < nsub:
        for d in scats[j]:
          d.wait()
        loads[j + 3] = pltpu.async_copy(
            feats_hbm.at[pl.ds(base + (j + 3) * sub, sub)], fbufs[b], lsems[b])

    for j in range(max(nsub - 3, 0), nsub):
      for d in scats[j]:
        d.wait()

    plsc.subcore_barrier()
    pltpu.sync_copy(shared_s.at[pl.ds(row0, stripe)],
                    s_out.at[cid, pl.ds(row0, stripe)])
    pltpu.sync_copy(shared_s2.at[pl.ds(row0, stripe)],
                    s2_out.at[cid, pl.ds(row0, stripe)])

  return sc(features, labels)


def _tc_pairwise(centers):
  k, dim = centers.shape
  f32 = jnp.float32

  def body(c_ref, m_ref):
    cmat = c_ref[:]
    sq = jnp.sum(cmat * cmat, axis=1, keepdims=True)
    gram = lax.dot_general(
        cmat, cmat, (((1,), (1,)), ((), ())),
        preferred_element_type=f32, precision=lax.Precision.HIGHEST)
    rows = lax.broadcasted_iota(jnp.int32, (k, k), 0)
    cols = lax.broadcasted_iota(jnp.int32, (k, k), 1)
    eye = rows == cols
    sq_col = jnp.sum(jnp.where(eye, sq + jnp.zeros((k, k), f32), 0.0),
                     axis=0, keepdims=True)
    d2 = jnp.maximum(sq + sq_col - 2.0 * gram, 0.0)
    pos = d2 > 0.0
    dist = jnp.where(pos, jnp.sqrt(jnp.where(pos, d2, 1.0)), 0.0)
    contrib = jnp.maximum(jnp.exp(MARGIN - dist) - 1.0, 0.0)
    m_ref[...] = jnp.where(eye, 0.0, contrib).astype(jnp.bfloat16)

  return pl.pallas_call(
      body,
      out_shape=jax.ShapeDtypeStruct((k, k), jnp.bfloat16),
      in_specs=[pl.BlockSpec((k, dim), lambda: (0, 0))],
      out_specs=pl.BlockSpec((k, k), lambda: (0, 0)),
  )(centers)


def _tc_combine(centers, pair_m, s, s2, k_pad):
  k, dim = centers.shape
  f32 = jnp.float32

  def body(c_ref, m_ref, s_ref, s2_ref, out_ref):
    cmat = c_ref[:]
    smat = (s_ref[0] + s_ref[1])[:k]
    s2mat = (s2_ref[0] + s2_ref[1])[:k]
    nvec = s2mat[:, 0:1]

    q = jnp.sum(s2mat, axis=1, keepdims=True) - nvec
    cdots = jnp.sum(cmat * smat, axis=1, keepdims=True)
    sq = jnp.sum(cmat * cmat, axis=1, keepdims=True)

    present = nvec > 0.0
    pcount = jnp.sum(present.astype(f32))
    safe_n = jnp.where(present, nvec, 1.0)
    lc_terms = jnp.where(present, (q - 2.0 * cdots + nvec * sq) / safe_n, 0.0)
    l_center = jnp.sum(lc_terms) / pcount

    presentf = present.astype(f32)
    p_bf = presentf.astype(jnp.bfloat16)
    mp = lax.dot_general(
        m_ref[...], p_bf, (((1,), (0,)), ((), ())),
        preferred_element_type=f32)
    l_spread = jnp.sum(presentf * mp)

    out_ref[0, 0] = l_center + LAMBDA_SPREAD * l_spread

  out = pl.pallas_call(
      body,
      out_shape=jax.ShapeDtypeStruct((1, 1), f32),
      in_specs=[
          pl.BlockSpec((k, dim), lambda: (0, 0)),
          pl.BlockSpec((k, k), lambda: (0, 0)),
          pl.BlockSpec((NC, k_pad, dim), lambda: (0, 0, 0)),
          pl.BlockSpec((NC, k_pad, dim), lambda: (0, 0, 0)),
      ],
      out_specs=pl.BlockSpec(memory_space=pltpu.SMEM),
  )(centers, pair_m, s, s2)
  return out[0, 0]


def kernel(features, labels, centers):
  k = centers.shape[0]
  k_pad = ((k + 8 * NS - 1) // (8 * NS)) * (8 * NS)
  labels = labels.astype(jnp.int32)
  s, s2 = _sc_segment_sums(features, labels, k_pad)
  pair_m = _tc_pairwise(centers)
  return _tc_combine(centers, pair_m, s, s2, k_pad)

# --- scband reference (transcript-rebuilt; emitter-appended) ---
"""Pipeline reference for scband-center-loss-76416058130802 (READ-ONLY COPY).

The authoritative reference and input builder live on the scoring server;
editing this copy changes nothing except your own understanding.
"""

import jax, jax.numpy as jnp
import numpy as np

NUM_CLASSES = 1000
FEATURE_DIM = 128
MARGIN = 2.5
LAMBDA_SPREAD = 0.5
BATCH = 16384


def setup_inputs(seed: int = 0) -> dict:
    key = jax.random.key(seed)
    k1, k2, k3 = jax.random.split(key, 3)
    features = jax.random.normal(k1, (BATCH, FEATURE_DIM), dtype=jnp.float32)
    labels = jax.random.randint(k2, (BATCH,), 0, NUM_CLASSES, dtype=jnp.int64 if jax.config.jax_enable_x64 else jnp.int32)
    c = jax.random.normal(k3, (NUM_CLASSES, FEATURE_DIM), dtype=jnp.float32)
    centers = c / jnp.linalg.norm(c, axis=1, keepdims=True)
    return {"features": features, "labels": labels, "centers": centers}


def _forward(features, centers, labels):
    K = centers.shape[0]
    # gather class centers per sample
    centers_batch = jnp.take(centers, labels, axis=0)
    # class-balanced sample weights
    class_counts = jnp.bincount(labels, minlength=K, length=K).astype(jnp.float32)
    weights = class_counts / class_counts.sum()
    weights = 1.0 / jnp.take(weights, labels, axis=0)
    weights = weights / weights.sum()
    l_center = jnp.sum(weights * jnp.sum((features - centers_batch) ** 2, axis=1))
    # pairwise euclidean distances between all centers (cdist)
    sq = jnp.sum(centers ** 2, axis=1)
    d2 = sq[:, None] + sq[None, :] - 2.0 * (centers @ centers.T)
    d2 = jnp.maximum(d2, 0.0)
    safe = jnp.where(d2 > 0, d2, 1.0)
    dist = jnp.where(d2 > 0, jnp.sqrt(safe), 0.0)
    # keep only rows/cols of classes present in the batch; kill diagonal
    present = class_counts > 0
    pairmask = present[:, None] & present[None, :]
    eye = jnp.eye(K, dtype=bool)
    pd = jnp.where(pairmask & (~eye), dist, jnp.inf)
    l_spread = jnp.sum(jax.nn.relu(jnp.exp(-(pd - MARGIN)) - 1.0))
    return l_center + LAMBDA_SPREAD * l_spread


def reference(features, labels, centers):
    return _forward(features, centers, labels)

if __name__ == "__main__":
    import jax
    _d = setup_inputs()
    print(jax.jit(kernel)(*tuple(_d.values())))

</pallas_src>

<mosaic_0001>
#map = affine_map<(d0, d1) -> (0, 0)>
#map1 = affine_map<(d0, d1) -> (0)>
#map2 = affine_map<(d0, d1) -> (0, 0, 0)>
module attributes {stable_mosaic.version = 14 : i64} {
  func.func @sc(%arg0: i32, %arg1: i32, %arg2: memref<16384x128xf32, #tpu.memory_space<hbm>>, %arg3: memref<16384xi32, #tpu.memory_space<hbm>>, %arg4: memref<2x1024x128xf32, #tpu.memory_space<hbm>>, %arg5: memref<2x1024x128xf32, #tpu.memory_space<hbm>>, %arg6: memref<64x128xf32, #tpu.memory_space<vmem>>, %arg7: memref<128x128xf32, #tpu.memory_space<vmem>>, %arg8: memref<128x128xf32, #tpu.memory_space<vmem>>, %arg9: memref<128x128xf32, #tpu.memory_space<vmem>>, %arg10: memref<128x128xf32, #tpu.memory_space<vmem>>, %arg11: memref<128x128xf32, #tpu.memory_space<vmem>>, %arg12: memref<128x128xf32, #tpu.memory_space<vmem>>, %arg13: memref<128xi32, #tpu.memory_space<vmem>>, %arg14: memref<128xi32, #tpu.memory_space<vmem>>, %arg15: memref<128xi32, #tpu.memory_space<vmem>>, %arg16: memref<128xi32, #tpu.memory_space<vmem>>, %arg17: memref<!tpu.dma_semaphore, #tpu.memory_space<semaphore_mem>>, %arg18: memref<!tpu.dma_semaphore, #tpu.memory_space<semaphore_mem>>, %arg19: memref<!tpu.dma_semaphore, #tpu.memory_space<semaphore_mem>>, %arg20: memref<!tpu.dma_semaphore, #tpu.memory_space<semaphore_mem>>, %arg21: memref<!tpu.dma_semaphore, #tpu.memory_space<semaphore_mem>>, %arg22: memref<!tpu.dma_semaphore, #tpu.memory_space<semaphore_mem>>, %arg23: memref<!tpu.dma_semaphore, #tpu.memory_space<semaphore_mem>>, %arg24: memref<!tpu.dma_semaphore, #tpu.memory_space<semaphore_mem>>, %arg25: memref<!tpu.dma_semaphore, #tpu.memory_space<semaphore_mem>>, %arg26: memref<1024x128xf32, #tpu.memory_space<vmem_shared>>, %arg27: memref<1024x128xf32, #tpu.memory_space<vmem_shared>>) attributes {dimension_semantics = [#tpu.dimension_semantics<core_parallel>, #tpu.dimension_semantics<subcore_parallel>], iteration_bounds = array<i64: 2, 16>, scalar_prefetch = 0 : i64, scratch_operands = 22 : i64, tpu.core_type = #tpu.core_type<sc_vector_subcore>, window_params = [{transform_indices = #map}, {transform_indices = #map1}, {transform_indices = #map2}, {transform_indices = #map2}]} {
    %mul3A = arith.constant 16 : i32
    %mul3A_0 = arith.muli %arg0, %mul3A : i32
    %add3A = arith.addi %mul3A_0, %arg1 : i32
    %mul3A_1 = arith.constant 512 : i32
    %mul3A_2 = arith.muli %add3A, %mul3A_1 : i32
    %add3A_3 = arith.constant 0 : i32
    %add3A_4 = arith.addi %mul3A_2, %add3A_3 : i32
    "tpu.region"() ({
      %run_scoped3A = tpu.sem_alloc : memref<!tpu.dma_semaphore, #tpu.memory_space<semaphore_mem>>
      %dma_start3A_135 = tpu.memref_slice %arg3[%add3A_4] : memref<16384xi32, #tpu.memory_space<hbm>> -> memref<128xi32, #tpu.memory_space<hbm>>
      %dma_start3A_136 = tpu.memref_slice %arg3[%add3A_4] : memref<16384xi32, #tpu.memory_space<hbm>> -> memref<128xi32, #tpu.memory_space<hbm>>
      tpu.enqueue_dma source(%dma_start3A_136 : memref<128xi32, #tpu.memory_space<hbm>>) target(%arg13 : memref<128xi32, #tpu.memory_space<vmem>>) target_semaphore(%run_scoped3A : memref<!tpu.dma_semaphore, #tpu.memory_space<semaphore_mem>>)
      %dma_wait3A_137 = tpu.memref_slice %arg3[%add3A_4] : memref<16384xi32, #tpu.memory_space<hbm>> -> memref<128xi32, #tpu.memory_space<hbm>>
      %dma_wait3A_138 = tpu.memref_slice %arg3[%add3A_4] : memref<16384xi32, #tpu.memory_space<hbm>> -> memref<128xi32, #tpu.memory_space<hbm>>
      tpu.wait_dma2 semaphore(%run_scoped3A : memref<!tpu.dma_semaphore, #tpu.memory_space<semaphore_mem>>) src(%dma_wait3A_138 : memref<128xi32, #tpu.memory_space<hbm>>) dst(%arg13 : memref<128xi32, #tpu.memory_space<vmem>>)
      tpu.yield
    }) : () -> ()
    %add3A_5 = arith.constant 128 : i32
    %add3A_6 = arith.addi %mul3A_2, %add3A_5 : i32
    "tpu.region"() ({
      %run_scoped3A = tpu.sem_alloc : memref<!tpu.dma_semaphore, #tpu.memory_space<semaphore_mem>>
      %dma_start3A_135 = tpu.memref_slice %arg3[%add3A_6] : memref<16384xi32, #tpu.memory_space<hbm>> -> memref<128xi32, #tpu.memory_space<hbm>>
      %dma_start3A_136 = tpu.memref_slice %arg3[%add3A_6] : memref<16384xi32, #tpu.memory_space<hbm>> -> memref<128xi32, #tpu.memory_space<hbm>>
      tpu.enqueue_dma source(%dma_start3A_136 : memref<128xi32, #tpu.memory_space<hbm>>) target(%arg14 : memref<128xi32, #tpu.memory_space<vmem>>) target_semaphore(%run_scoped3A : memref<!tpu.dma_semaphore, #tpu.memory_space<semaphore_mem>>)
      %dma_wait3A_137 = tpu.memref_slice %arg3[%add3A_6] : memref<16384xi32, #tpu.memory_space<hbm>> -> memref<128xi32, #tpu.memory_space<hbm>>
      %dma_wait3A_138 = tpu.memref_slice %arg3[%add3A_6] : memref<16384xi32, #tpu.memory_space<hbm>> -> memref<128xi32, #tpu.memory_space<hbm>>
      tpu.wait_dma2 semaphore(%run_scoped3A : memref<!tpu.dma_semaphore, #tpu.memory_space<semaphore_mem>>) src(%dma_wait3A_138 : memref<128xi32, #tpu.memory_space<hbm>>) dst(%arg14 : memref<128xi32, #tpu.memory_space<vmem>>)
      tpu.yield
    }) : () -> ()
    %add3A_7 = arith.constant 256 : i32
    %add3A_8 = arith.addi %mul3A_2, %add3A_7 : i32
    "tpu.region"() ({
      %run_scoped3A = tpu.sem_alloc : memref<!tpu.dma_semaphore, #tpu.memory_space<semaphore_mem>>
      %dma_start3A_135 = tpu.memref_slice %arg3[%add3A_8] : memref<16384xi32, #tpu.memory_space<hbm>> -> memref<128xi32, #tpu.memory_space<hbm>>
      %dma_start3A_136 = tpu.memref_slice %arg3[%add3A_8] : memref<16384xi32, #tpu.memory_space<hbm>> -> memref<128xi32, #tpu.memory_space<hbm>>
      tpu.enqueue_dma source(%dma_start3A_136 : memref<128xi32, #tpu.memory_space<hbm>>) target(%arg15 : memref<128xi32, #tpu.memory_space<vmem>>) target_semaphore(%run_scoped3A : memref<!tpu.dma_semaphore, #tpu.memory_space<semaphore_mem>>)
      %dma_wait3A_137 = tpu.memref_slice %arg3[%add3A_8] : memref<16384xi32, #tpu.memory_space<hbm>> -> memref<128xi32, #tpu.memory_space<hbm>>
      %dma_wait3A_138 = tpu.memref_slice %arg3[%add3A_8] : memref<16384xi32, #tpu.memory_space<hbm>> -> memref<128xi32, #tpu.memory_space<hbm>>
      tpu.wait_dma2 semaphore(%run_scoped3A : memref<!tpu.dma_semaphore, #tpu.memory_space<semaphore_mem>>) src(%dma_wait3A_138 : memref<128xi32, #tpu.memory_space<hbm>>) dst(%arg15 : memref<128xi32, #tpu.memory_space<vmem>>)
      tpu.yield
    }) : () -> ()
    %add3A_9 = arith.constant 384 : i32
    %add3A_10 = arith.addi %mul3A_2, %add3A_9 : i32
    "tpu.region"() ({
      %run_scoped3A = tpu.sem_alloc : memref<!tpu.dma_semaphore, #tpu.memory_space<semaphore_mem>>
      %dma_start3A_135 = tpu.memref_slice %arg3[%add3A_10] : memref<16384xi32, #tpu.memory_space<hbm>> -> memref<128xi32, #tpu.memory_space<hbm>>
      %dma_start3A_136 = tpu.memref_slice %arg3[%add3A_10] : memref<16384xi32, #tpu.memory_space<hbm>> -> memref<128xi32, #tpu.memory_space<hbm>>
      tpu.enqueue_dma source(%dma_start3A_136 : memref<128xi32, #tpu.memory_space<hbm>>) target(%arg16 : memref<128xi32, #tpu.memory_space<vmem>>) target_semaphore(%run_scoped3A : memref<!tpu.dma_semaphore, #tpu.memory_space<semaphore_mem>>)
      %dma_wait3A_137 = tpu.memref_slice %arg3[%add3A_10] : memref<16384xi32, #tpu.memory_space<hbm>> -> memref<128xi32, #tpu.memory_space<hbm>>
      %dma_wait3A_138 = tpu.memref_slice %arg3[%add3A_10] : memref<16384xi32, #tpu.memory_space<hbm>> -> memref<128xi32, #tpu.memory_space<hbm>>
      tpu.wait_dma2 semaphore(%run_scoped3A : memref<!tpu.dma_semaphore, #tpu.memory_space<semaphore_mem>>) src(%dma_wait3A_138 : memref<128xi32, #tpu.memory_space<hbm>>) dst(%arg16 : memref<128xi32, #tpu.memory_space<vmem>>)
      tpu.yield
    }) : () -> ()
    %add3A_11 = arith.constant 0 : i32
    %add3A_12 = arith.addi %mul3A_2, %add3A_11 : i32
    %dma_start3A = arith.constant 0 : i32
    %dma_start3A_13 = tpu.memref_slice %arg2[%add3A_12, %dma_start3A] : memref<16384x128xf32, #tpu.memory_space<hbm>> -> memref<128x128xf32, #tpu.memory_space<hbm>>
    %dma_start3A_14 = arith.constant 0 : i32
    %dma_start3A_15 = tpu.memref_slice %arg2[%add3A_12, %dma_start3A_14] : memref<16384x128xf32, #tpu.memory_space<hbm>> -> memref<128x128xf32, #tpu.memory_space<hbm>>
    tpu.enqueue_dma source(%dma_start3A_15 : memref<128x128xf32, #tpu.memory_space<hbm>>) target(%arg7 : memref<128x128xf32, #tpu.memory_space<vmem>>) target_semaphore(%arg17 : memref<!tpu.dma_semaphore, #tpu.memory_space<semaphore_mem>>)
    %add3A_16 = arith.constant 128 : i32
    %add3A_17 = arith.addi %mul3A_2, %add3A_16 : i32
    %dma_start3A_18 = arith.constant 0 : i32
    %dma_start3A_19 = tpu.memref_slice %arg2[%add3A_17, %dma_start3A_18] : memref<16384x128xf32, #tpu.memory_space<hbm>> -> memref<128x128xf32, #tpu.memory_space<hbm>>
    %dma_start3A_20 = arith.constant 0 : i32
    %dma_start3A_21 = tpu.memref_slice %arg2[%add3A_17, %dma_start3A_20] : memref<16384x128xf32, #tpu.memory_space<hbm>> -> memref<128x128xf32, #tpu.memory_space<hbm>>
    tpu.enqueue_dma source(%dma_start3A_21 : memref<128x128xf32, #tpu.memory_space<hbm>>) target(%arg8 : memref<128x128xf32, #tpu.memory_space<vmem>>) target_semaphore(%arg18 : memref<!tpu.dma_semaphore, #tpu.memory_space<semaphore_mem>>)
    %add3A_22 = arith.constant 256 : i32
    %add3A_23 = arith.addi %mul3A_2, %add3A_22 : i32
    %dma_start3A_24 = arith.constant 0 : i32
    %dma_start3A_25 = tpu.memref_slice %arg2[%add3A_23, %dma_start3A_24] : memref<16384x128xf32, #tpu.memory_space<hbm>> -> memref<128x128xf32, #tpu.memory_space<hbm>>
    %dma_start3A_26 = arith.constant 0 : i32
    %dma_start3A_27 = tpu.memref_slice %arg2[%add3A_23, %dma_start3A_26] : memref<16384x128xf32, #tpu.memory_space<hbm>> -> memref<128x128xf32, #tpu.memory_space<hbm>>
    tpu.enqueue_dma source(%dma_start3A_27 : memref<128x128xf32, #tpu.memory_space<hbm>>) target(%arg9 : memref<128x128xf32, #tpu.memory_space<vmem>>) target_semaphore(%arg19 : memref<!tpu.dma_semaphore, #tpu.memory_space<semaphore_mem>>)
    %broadcast_in_dim3A = arith.constant 0.000000e+00 : f32
    %broadcast_in_dim3A_28 = vector.broadcast %broadcast_in_dim3A : f32 to vector<16xf32>
    %scan3A = arith.constant 0 : i32
    %scan3A_29 = arith.constant 0 : i32
    %scan3A_30 = arith.constant 64 : i32
    %scan3A_31 = arith.addi %scan3A_29, %scan3A_30 : i32
    %scan3A_32 = arith.constant 1 : i32
    scf.for %scan3A_135 = %scan3A_29 to %scan3A_31 step %scan3A_32  : i32 {
      %swap3A = arith.index_cast %scan3A_135 : i32 to index
      %swap3A_136 = arith.constant 0 : index
      %swap3A_137 = tpu.vector_load %arg6[%swap3A, %swap3A_136] {strides = array<i32>} : memref<64x128xf32, #tpu.memory_space<vmem>>, vector<1x16xf32>,
      %swap3A_138 = vector.shape_cast %swap3A_137 : vector<1x16xf32> to vector<16xf32>
      %swap3A_139 = vector.shape_cast %broadcast_in_dim3A_28 : vector<16xf32> to vector<1x16xf32>
      tpu.vector_store %arg6[%swap3A, %swap3A_136], %swap3A_139 {strides = array<i32>} : memref<64x128xf32, #tpu.memory_space<vmem>>, vector<1x16xf32>,
      %swap3A_140 = arith.index_cast %scan3A_135 : i32 to index
      %swap3A_141 = arith.constant 16 : index
      %swap3A_142 = tpu.vector_load %arg6[%swap3A_140, %swap3A_141] {strides = array<i32>} : memref<64x128xf32, #tpu.memory_space<vmem>>, vector<1x16xf32>,
      %swap3A_143 = vector.shape_cast %swap3A_142 : vector<1x16xf32> to vector<16xf32>
      %swap3A_144 = vector.shape_cast %broadcast_in_dim3A_28 : vector<16xf32> to vector<1x16xf32>
      tpu.vector_store %arg6[%swap3A_140, %swap3A_141], %swap3A_144 {strides = array<i32>} : memref<64x128xf32, #tpu.memory_space<vmem>>, vector<1x16xf32>,
      %swap3A_145 = arith.index_cast %scan3A_135 : i32 to index
      %swap3A_146 = arith.constant 32 : index
      %swap3A_147 = tpu.vector_load %arg6[%swap3A_145, %swap3A_146] {strides = array<i32>} : memref<64x128xf32, #tpu.memory_space<vmem>>, vector<1x16xf32>,
      %swap3A_148 = vector.shape_cast %swap3A_147 : vector<1x16xf32> to vector<16xf32>
      %swap3A_149 = vector.shape_cast %broadcast_in_dim3A_28 : vector<16xf32> to vector<1x16xf32>
      tpu.vector_store %arg6[%swap3A_145, %swap3A_146], %swap3A_149 {strides = array<i32>} : memref<64x128xf32, #tpu.memory_space<vmem>>, vector<1x16xf32>,
      %swap3A_150 = arith.index_cast %scan3A_135 : i32 to index
      %swap3A_151 = arith.constant 48 : index
      %swap3A_152 = tpu.vector_load %arg6[%swap3A_150, %swap3A_151] {strides = array<i32>} : memref<64x128xf32, #tpu.memory_space<vmem>>, vector<1x16xf32>,
      %swap3A_153 = vector.shape_cast %swap3A_152 : vector<1x16xf32> to vector<16xf32>
      %swap3A_154 = vector.shape_cast %broadcast_in_dim3A_28 : vector<16xf32> to vector<1x16xf32>
      tpu.vector_store %arg6[%swap3A_150, %swap3A_151], %swap3A_154 {strides = array<i32>} : memref<64x128xf32, #tpu.memory_space<vmem>>, vector<1x16xf32>,
      %swap3A_155 = arith.index_cast %scan3A_135 : i32 to index
      %swap3A_156 = arith.constant 64 : index
      %swap3A_157 = tpu.vector_load %arg6[%swap3A_155, %swap3A_156] {strides = array<i32>} : memref<64x128xf32, #tpu.memory_space<vmem>>, vector<1x16xf32>,
      %swap3A_158 = vector.shape_cast %swap3A_157 : vector<1x16xf32> to vector<16xf32>
      %swap3A_159 = vector.shape_cast %broadcast_in_dim3A_28 : vector<16xf32> to vector<1x16xf32>
      tpu.vector_store %arg6[%swap3A_155, %swap3A_156], %swap3A_159 {strides = array<i32>} : memref<64x128xf32, #tpu.memory_space<vmem>>, vector<1x16xf32>,
      %swap3A_160 = arith.index_cast %scan3A_135 : i32 to index
      %swap3A_161 = arith.constant 80 : index
      %swap3A_162 = tpu.vector_load %arg6[%swap3A_160, %swap3A_161] {strides = array<i32>} : memref<64x128xf32, #tpu.memory_space<vmem>>, vector<1x16xf32>,
      %swap3A_163 = vector.shape_cast %swap3A_162 : vector<1x16xf32> to vector<16xf32>
      %swap3A_164 = vector.shape_cast %broadcast_in_dim3A_28 : vector<16xf32> to vector<1x16xf32>
      tpu.vector_store %arg6[%swap3A_160, %swap3A_161], %swap3A_164 {strides = array<i32>} : memref<64x128xf32, #tpu.memory_space<vmem>>, vector<1x16xf32>,
      %swap3A_165 = arith.index_cast %scan3A_135 : i32 to index
      %swap3A_166 = arith.constant 96 : index
      %swap3A_167 = tpu.vector_load %arg6[%swap3A_165, %swap3A_166] {strides = array<i32>} : memref<64x128xf32, #tpu.memory_space<vmem>>, vector<1x16xf32>,
      %swap3A_168 = vector.shape_cast %swap3A_167 : vector<1x16xf32> to vector<16xf32>
      %swap3A_169 = vector.shape_cast %broadcast_in_dim3A_28 : vector<16xf32> to vector<1x16xf32>
      tpu.vector_store %arg6[%swap3A_165, %swap3A_166], %swap3A_169 {strides = array<i32>} : memref<64x128xf32, #tpu.memory_space<vmem>>, vector<1x16xf32>,
      %swap3A_170 = arith.index_cast %scan3A_135 : i32 to index
      %swap3A_171 = arith.constant 112 : index
      %swap3A_172 = tpu.vector_load %arg6[%swap3A_170, %swap3A_171] {strides = array<i32>} : memref<64x128xf32, #tpu.memory_space<vmem>>, vector<1x16xf32>,
      %swap3A_173 = vector.shape_cast %swap3A_172 : vector<1x16xf32> to vector<16xf32>
      %swap3A_174 = vector.shape_cast %broadcast_in_dim3A_28 : vector<16xf32> to vector<1x16xf32>
      tpu.vector_store %arg6[%swap3A_170, %swap3A_171], %swap3A_174 {strides = array<i32>} : memref<64x128xf32, #tpu.memory_space<vmem>>, vector<1x16xf32>,
    }
    %scan3A_33 = arith.constant 64 : i32
    %mul3A_34 = arith.constant 64 : i32
    %mul3A_35 = arith.muli %arg1, %mul3A_34 : i32
    "tpu.region"() ({
      %run_scoped3A = tpu.sem_alloc : memref<!tpu.dma_semaphore, #tpu.memory_space<semaphore_mem>>
      %dma_start3A_135 = arith.constant 0 : i32
      %dma_start3A_136 = tpu.memref_slice %arg26[%mul3A_35, %dma_start3A_135] : memref<1024x128xf32, #tpu.memory_space<vmem_shared>> -> memref<64x128xf32, #tpu.memory_space<vmem_shared>>
      %dma_start3A_137 = arith.constant 0 : i32
      %dma_start3A_138 = tpu.memref_slice %arg26[%mul3A_35, %dma_start3A_137] : memref<1024x128xf32, #tpu.memory_space<vmem_shared>> -> memref<64x128xf32, #tpu.memory_space<vmem_shared>>
      tpu.enqueue_dma source(%arg6 : memref<64x128xf32, #tpu.memory_space<vmem>>) target(%dma_start3A_138 : memref<64x128xf32, #tpu.memory_space<vmem_shared>>) target_semaphore(%run_scoped3A : memref<!tpu.dma_semaphore, #tpu.memory_space<semaphore_mem>>)
      %dma_wait3A_139 = arith.constant 0 : i32
      %dma_wait3A_140 = tpu.memref_slice %arg26[%mul3A_35, %dma_wait3A_139] : memref<1024x128xf32, #tpu.memory_space<vmem_shared>> -> memref<64x128xf32, #tpu.memory_space<vmem_shared>>
      %dma_wait3A_141 = arith.constant 0 : i32
      %dma_wait3A_142 = tpu.memref_slice %arg26[%mul3A_35, %dma_wait3A_141] : memref<1024x128xf32, #tpu.memory_space<vmem_shared>> -> memref<64x128xf32, #tpu.memory_space<vmem_shared>>
      tpu.wait_dma2 semaphore(%run_scoped3A : memref<!tpu.dma_semaphore, #tpu.memory_space<semaphore_mem>>) src(%arg6 : memref<64x128xf32, #tpu.memory_space<vmem>>) dst(%dma_wait3A_142 : memref<64x128xf32, #tpu.memory_space<vmem_shared>>)
      tpu.yield
    }) : () -> ()
    "tpu.region"() ({
      %run_scoped3A = tpu.sem_alloc : memref<!tpu.dma_semaphore, #tpu.memory_space<semaphore_mem>>
      %dma_start3A_135 = arith.constant 0 : i32
      %dma_start3A_136 = tpu.memref_slice %arg27[%mul3A_35, %dma_start3A_135] : memref<1024x128xf32, #tpu.memory_space<vmem_shared>> -> memref<64x128xf32, #tpu.memory_space<vmem_shared>>
      %dma_start3A_137 = arith.constant 0 : i32
      %dma_start3A_138 = tpu.memref_slice %arg27[%mul3A_35, %dma_start3A_137] : memref<1024x128xf32, #tpu.memory_space<vmem_shared>> -> memref<64x128xf32, #tpu.memory_space<vmem_shared>>
      tpu.enqueue_dma source(%arg6 : memref<64x128xf32, #tpu.memory_space<vmem>>) target(%dma_start3A_138 : memref<64x128xf32, #tpu.memory_space<vmem_shared>>) target_semaphore(%run_scoped3A : memref<!tpu.dma_semaphore, #tpu.memory_space<semaphore_mem>>)
      %dma_wait3A_139 = arith.constant 0 : i32
      %dma_wait3A_140 = tpu.memref_slice %arg27[%mul3A_35, %dma_wait3A_139] : memref<1024x128xf32, #tpu.memory_space<vmem_shared>> -> memref<64x128xf32, #tpu.memory_space<vmem_shared>>
      %dma_wait3A_141 = arith.constant 0 : i32
      %dma_wait3A_142 = tpu.memref_slice %arg27[%mul3A_35, %dma_wait3A_141] : memref<1024x128xf32, #tpu.memory_space<vmem_shared>> -> memref<64x128xf32, #tpu.memory_space<vmem_shared>>
      tpu.wait_dma2 semaphore(%run_scoped3A : memref<!tpu.dma_semaphore, #tpu.memory_space<semaphore_mem>>) src(%arg6 : memref<64x128xf32, #tpu.memory_space<vmem>>) dst(%dma_wait3A_142 : memref<64x128xf32, #tpu.memory_space<vmem_shared>>)
      tpu.yield
    }) : () -> ()
    %barrier3A = arith.constant 0 : index
    tpu.barrier barrier_id(%barrier3A)
    %iota3A = tpu.iota {dimensions = array<i32: 0>} : vector<16xi32>
    %add3A_36 = arith.constant 15 : i32
    %add3A_37 = vector.broadcast %add3A_36 : i32 to vector<16xi32>
    %add3A_38 = arith.addi %iota3A, %add3A_37 : vector<16xi32>
    %and3A = arith.constant 15 : i32
    %and3A_39 = vector.broadcast %and3A : i32 to vector<16xi32>
    %and3A_40 = arith.andi %add3A_38, %and3A_39 : vector<16xi32>
    %dma_wait3A = arith.constant 0 : i32
    %dma_wait3A_41 = tpu.memref_slice %arg2[%add3A_12, %dma_wait3A] : memref<16384x128xf32, #tpu.memory_space<hbm>> -> memref<128x128xf32, #tpu.memory_space<hbm>>
    %dma_wait3A_42 = arith.constant 0 : i32
    %dma_wait3A_43 = tpu.memref_slice %arg2[%add3A_12, %dma_wait3A_42] : memref<16384x128xf32, #tpu.memory_space<hbm>> -> memref<128x128xf32, #tpu.memory_space<hbm>>
    tpu.wait_dma2 semaphore(%arg17 : memref<!tpu.dma_semaphore, #tpu.memory_space<semaphore_mem>>) src(%dma_wait3A_43 : memref<128x128xf32, #tpu.memory_space<hbm>>) dst(%arg7 : memref<128x128xf32, #tpu.memory_space<vmem>>)
    %dma_start3A_44 = arith.constant 0 : i32
    %dma_start3A_45 = arith.constant 0 : i32
    %dma_start3A_46 = tpu.memref_slice %arg26[%dma_start3A_44, %dma_start3A_45] : memref<1024x128xf32, #tpu.memory_space<vmem_shared>> -> memref<1024x128xf32, #tpu.memory_space<vmem_shared>>
    tpu.enqueue_indirect_dma source(%arg7 : memref<128x128xf32, #tpu.memory_space<vmem>>) target(%dma_start3A_46 : memref<1024x128xf32, #tpu.memory_space<vmem_shared>>) offsets(%arg13 : memref<128xi32, #tpu.memory_space<vmem>>) semaphore(%arg20 : memref<!tpu.dma_semaphore, #tpu.memory_space<semaphore_mem>>) {add = true}
    %scan3A_47 = arith.constant 0 : i32
    %scan3A_48 = arith.constant 0 : i32
    %scan3A_49 = arith.constant 128 : i32
    %scan3A_50 = arith.addi %scan3A_48, %scan3A_49 : i32
    %scan3A_51 = arith.constant 1 : i32
    scf.for %scan3A_135 = %scan3A_48 to %scan3A_50 step %scan3A_51  : i32 {
      %get3A = arith.index_cast %scan3A_135 : i32 to index
      %get3A_136 = arith.constant 0 : index
      %get3A_137 = tpu.vector_load %arg7[%get3A, %get3A_136] {strides = array<i32>} : memref<128x128xf32, #tpu.memory_space<vmem>>, vector<1x16xf32>,
      %get3A_138 = vector.shape_cast %get3A_137 : vector<1x16xf32> to vector<16xf32>
      %mul3A_139 = arith.mulf %get3A_138, %get3A_138 : vector<16xf32>
      %lt3A = arith.constant 0 : i32
      %lt3A_140 = vector.broadcast %lt3A : i32 to vector<16xi32>
      %lt3A_141 = arith.cmpi slt, %and3A_40, %lt3A_140 : vector<16xi32>
      %add3A_142 = arith.constant 16 : i32
      %add3A_143 = vector.broadcast %add3A_142 : i32 to vector<16xi32>
      %add3A_144 = arith.addi %and3A_40, %add3A_143 : vector<16xi32>
      %select_n3A = arith.select %lt3A_141, %add3A_144, %and3A_40 : vector<16xi1>, vector<16xi32>
      %broadcast_in_dim3A_145 = vector.shape_cast %select_n3A : vector<16xi32> to vector<16x1xi32>
      %gather3A = vector.shape_cast %broadcast_in_dim3A_145 : vector<16x1xi32> to vector<16xi32>
      %gather3A_146 = tpu.dynamic_gather %mul3A_139[%gather3A] in [0] : vector<16xf32>, vector<16xi32> -> vector<16xf32>
      %eq3A = arith.constant 1 : i32
      %eq3A_147 = vector.broadcast %eq3A : i32 to vector<16xi32>
      %eq3A_148 = arith.cmpi eq, %iota3A, %eq3A_147 : vector<16xi32>
      %add3A_149 = arith.addf %mul3A_139, %gather3A_146 : vector<16xf32>
      %select_n3A_150 = arith.select %eq3A_148, %add3A_149, %mul3A_139 : vector<16xi1>, vector<16xf32>
      %eq3A_151 = arith.constant 0 : i32
      %eq3A_152 = vector.broadcast %eq3A_151 : i32 to vector<16xi32>
      %eq3A_153 = arith.cmpi eq, %iota3A, %eq3A_152 : vector<16xi32>
      %jit3A = arith.constant 1.000000e+00 : f32
      %broadcast_in_dim3A_154 = vector.broadcast %jit3A : f32 to vector<16xf32>
      %select_n3A_155 = arith.select %eq3A_153, %broadcast_in_dim3A_154, %select_n3A_150 : vector<16xi1>, vector<16xf32>
      %swap3A = arith.index_cast %scan3A_135 : i32 to index
      %swap3A_156 = arith.constant 0 : index
      %swap3A_157 = tpu.vector_load %arg10[%swap3A, %swap3A_156] {strides = array<i32>} : memref<128x128xf32, #tpu.memory_space<vmem>>, vector<1x16xf32>,
      %swap3A_158 = vector.shape_cast %swap3A_157 : vector<1x16xf32> to vector<16xf32>
      %swap3A_159 = vector.shape_cast %select_n3A_155 : vector<16xf32> to vector<1x16xf32>
      tpu.vector_store %arg10[%swap3A, %swap3A_156], %swap3A_159 {strides = array<i32>} : memref<128x128xf32, #tpu.memory_space<vmem>>, vector<1x16xf32>,
      %get3A_160 = arith.index_cast %scan3A_135 : i32 to index
      %get3A_161 = arith.constant 16 : index
      %get3A_162 = tpu.vector_load %arg7[%get3A_160, %get3A_161] {strides = array<i32>} : memref<128x128xf32, #tpu.memory_space<vmem>>, vector<1x16xf32>,
      %get3A_163 = vector.shape_cast %get3A_162 : vector<1x16xf32> to vector<16xf32>
      %mul3A_164 = arith.mulf %get3A_163, %get3A_163 : vector<16xf32>
      %swap3A_165 = arith.index_cast %scan3A_135 : i32 to index
      %swap3A_166 = arith.constant 16 : index
      %swap3A_167 = tpu.vector_load %arg10[%swap3A_165, %swap3A_166] {strides = array<i32>} : memref<128x128xf32, #tpu.memory_space<vmem>>, vector<1x16xf32>,
      %swap3A_168 = vector.shape_cast %swap3A_167 : vector<1x16xf32> to vector<16xf32>
      %swap3A_169 = vector.shape_cast %mul3A_164 : vector<16xf32> to vector<1x16xf32>
      tpu.vector_store %arg10[%swap3A_165, %swap3A_166], %swap3A_169 {strides = array<i32>} : memref<128x128xf32, #tpu.memory_space<vmem>>, vector<1x16xf32>,
      %get3A_170 = arith.index_cast %scan3A_135 : i32 to index
      %get3A_171 = arith.constant 32 : index
      %get3A_172 = tpu.vector_load %arg7[%get3A_170, %get3A_171] {strides = array<i32>} : memref<128x128xf32, #tpu.memory_space<vmem>>, vector<1x16xf32>,
      %get3A_173 = vector.shape_cast %get3A_172 : vector<1x16xf32> to vector<16xf32>
      %mul3A_174 = arith.mulf %get3A_173, %get3A_173 : vector<16xf32>
      %swap3A_175 = arith.index_cast %scan3A_135 : i32 to index
      %swap3A_176 = arith.constant 32 : index
      %swap3A_177 = tpu.vector_load %arg10[%swap3A_175, %swap3A_176] {strides = array<i32>} : memref<128x128xf32, #tpu.memory_space<vmem>>, vector<1x16xf32>,
      %swap3A_178 = vector.shape_cast %swap3A_177 : vector<1x16xf32> to vector<16xf32>
      %swap3A_179 = vector.shape_cast %mul3A_174 : vector<16xf32> to vector<1x16xf32>
      tpu.vector_store %arg10[%swap3A_175, %swap3A_176], %swap3A_179 {strides = array<i32>} : memref<128x128xf32, #tpu.memory_space<vmem>>, vector<1x16xf32>,
      %get3A_180 = arith.index_cast %scan3A_135 : i32 to index
      %get3A_181 = arith.constant 48 : index
      %get3A_182 = tpu.vector_load %arg7[%get3A_180, %get3A_181] {strides = array<i32>} : memref<128x128xf32, #tpu.memory_space<vmem>>, vector<1x16xf32>,
      %get3A_183 = vector.shape_cast %get3A_182 : vector<1x16xf32> to vector<16xf32>
      %mul3A_184 = arith.mulf %get3A_183, %get3A_183 : vector<16xf32>
      %swap3A_185 = arith.index_cast %scan3A_135 : i32 to index
      %swap3A_186 = arith.constant 48 : index
      %swap3A_187 = tpu.vector_load %arg10[%swap3A_185, %swap3A_186] {strides = array<i32>} : memref<128x128xf32, #tpu.memory_space<vmem>>, vector<1x16xf32>,
      %swap3A_188 = vector.shape_cast %swap3A_187 : vector<1x16xf32> to vector<16xf32>
      %swap3A_189 = vector.shape_cast %mul3A_184 : vector<16xf32> to vector<1x16xf32>
      tpu.vector_store %arg10[%swap3A_185, %swap3A_186], %swap3A_189 {strides = array<i32>} : memref<128x128xf32, #tpu.memory_space<vmem>>, vector<1x16xf32>,
      %get3A_190 = arith.index_cast %scan3A_135 : i32 to index
      %get3A_191 = arith.constant 64 : index
      %get3A_192 = tpu.vector_load %arg7[%get3A_190, %get3A_191] {strides = array<i32>} : memref<128x128xf32, #tpu.memory_space<vmem>>, vector<1x16xf32>,
      %get3A_193 = vector.shape_cast %get3A_192 : vector<1x16xf32> to vector<16xf32>
      %mul3A_194 = arith.mulf %get3A_193, %get3A_193 : vector<16xf32>
      %swap3A_195 = arith.index_cast %scan3A_135 : i32 to index
      %swap3A_196 = arith.constant 64 : index
      %swap3A_197 = tpu.vector_load %arg10[%swap3A_195, %swap3A_196] {strides = array<i32>} : memref<128x128xf32, #tpu.memory_space<vmem>>, vector<1x16xf32>,
      %swap3A_198 = vector.shape_cast %swap3A_197 : vector<1x16xf32> to vector<16xf32>
      %swap3A_199 = vector.shape_cast %mul3A_194 : vector<16xf32> to vector<1x16xf32>
      tpu.vector_store %arg10[%swap3A_195, %swap3A_196], %swap3A_199 {strides = array<i32>} : memref<128x128xf32, #tpu.memory_space<vmem>>, vector<1x16xf32>,
      %get3A_200 = arith.index_cast %scan3A_135 : i32 to index
      %get3A_201 = arith.constant 80 : index
      %get3A_202 = tpu.vector_load %arg7[%get3A_200, %get3A_201] {strides = array<i32>} : memref<128x128xf32, #tpu.memory_space<vmem>>, vector<1x16xf32>,
      %get3A_203 = vector.shape_cast %get3A_202 : vector<1x16xf32> to vector<16xf32>
      %mul3A_204 = arith.mulf %get3A_203, %get3A_203 : vector<16xf32>
      %swap3A_205 = arith.index_cast %scan3A_135 : i32 to index
      %swap3A_206 = arith.constant 80 : index
      %swap3A_207 = tpu.vector_load %arg10[%swap3A_205, %swap3A_206] {strides = array<i32>} : memref<128x128xf32, #tpu.memory_space<vmem>>, vector<1x16xf32>,
      %swap3A_208 = vector.shape_cast %swap3A_207 : vector<1x16xf32> to vector<16xf32>
      %swap3A_209 = vector.shape_cast %mul3A_204 : vector<16xf32> to vector<1x16xf32>
      tpu.vector_store %arg10[%swap3A_205, %swap3A_206], %swap3A_209 {strides = array<i32>} : memref<128x128xf32, #tpu.memory_space<vmem>>, vector<1x16xf32>,
      %get3A_210 = arith.index_cast %scan3A_135 : i32 to index
      %get3A_211 = arith.constant 96 : index
      %get3A_212 = tpu.vector_load %arg7[%get3A_210, %get3A_211] {strides = array<i32>} : memref<128x128xf32, #tpu.memory_space<vmem>>, vector<1x16xf32>,
      %get3A_213 = vector.shape_cast %get3A_212 : vector<1x16xf32> to vector<16xf32>
      %mul3A_214 = arith.mulf %get3A_213, %get3A_213 : vector<16xf32>
      %swap3A_215 = arith.index_cast %scan3A_135 : i32 to index
      %swap3A_216 = arith.constant 96 : index
      %swap3A_217 = tpu.vector_load %arg10[%swap3A_215, %swap3A_216] {strides = array<i32>} : memref<128x128xf32, #tpu.memory_space<vmem>>, vector<1x16xf32>,
      %swap3A_218 = vector.shape_cast %swap3A_217 : vector<1x16xf32> to vector<16xf32>
      %swap3A_219 = vector.shape_cast %mul3A_214 : vector<16xf32> to vector<1x16xf32>
      tpu.vector_store %arg10[%swap3A_215, %swap3A_216], %swap3A_219 {strides = array<i32>} : memref<128x128xf32, #tpu.memory_space<vmem>>, vector<1x16xf32>,
      %get3A_220 = arith.index_cast %scan3A_135 : i32 to index
      %get3A_221 = arith.constant 112 : index
      %get3A_222 = tpu.vector_load %arg7[%get3A_220, %get3A_221] {strides = array<i32>} : memref<128x128xf32, #tpu.memory_space<vmem>>, vector<1x16xf32>,
      %get3A_223 = vector.shape_cast %get3A_222 : vector<1x16xf32> to vector<16xf32>
      %mul3A_224 = arith.mulf %get3A_223, %get3A_223 : vector<16xf32>
      %swap3A_225 = arith.index_cast %scan3A_135 : i32 to index
      %swap3A_226 = arith.constant 112 : index
      %swap3A_227 = tpu.vector_load %arg10[%swap3A_225, %swap3A_226] {strides = array<i32>} : memref<128x128xf32, #tpu.memory_space<vmem>>, vector<1x16xf32>,
      %swap3A_228 = vector.shape_cast %swap3A_227 : vector<1x16xf32> to vector<16xf32>
      %swap3A_229 = vector.shape_cast %mul3A_224 : vector<16xf32> to vector<1x16xf32>
      tpu.vector_store %arg10[%swap3A_225, %swap3A_226], %swap3A_229 {strides = array<i32>} : memref<128x128xf32, #tpu.memory_space<vmem>>, vector<1x16xf32>,
    }
    %scan3A_52 = arith.constant 128 : i32
    %dma_start3A_53 = arith.constant 0 : i32
    %dma_start3A_54 = arith.constant 0 : i32
    %dma_start3A_55 = tpu.memref_slice %arg27[%dma_start3A_53, %dma_start3A_54] : memref<1024x128xf32, #tpu.memory_space<vmem_shared>> -> memref<1024x128xf32, #tpu.memory_space<vmem_shared>>
    tpu.enqueue_indirect_dma source(%arg10 : memref<128x128xf32, #tpu.memory_space<vmem>>) target(%dma_start3A_55 : memref<1024x128xf32, #tpu.memory_space<vmem_shared>>) offsets(%arg13 : memref<128xi32, #tpu.memory_space<vmem>>) semaphore(%arg23 : memref<!tpu.dma_semaphore, #tpu.memory_space<semaphore_mem>>) {add = true}
    %dma_wait3A_56 = arith.constant 0 : i32
    %dma_wait3A_57 = arith.constant 0 : i32
    %dma_wait3A_58 = tpu.memref_slice %arg26[%dma_wait3A_56, %dma_wait3A_57] : memref<1024x128xf32, #tpu.memory_space<vmem_shared>> -> memref<1024x128xf32, #tpu.memory_space<vmem_shared>>
    tpu.wait_indirect_dma semaphore(%arg20 : memref<!tpu.dma_semaphore, #tpu.memory_space<semaphore_mem>>) src(%arg7 : memref<128x128xf32, #tpu.memory_space<vmem>>) dst(%dma_wait3A_58 : memref<1024x128xf32, #tpu.memory_space<vmem_shared>>)
    %dma_wait3A_59 = arith.constant 0 : i32
    %dma_wait3A_60 = arith.constant 0 : i32
    %dma_wait3A_61 = tpu.memref_slice %arg27[%dma_wait3A_59, %dma_wait3A_60] : memref<1024x128xf32, #tpu.memory_space<vmem_shared>> -> memref<1024x128xf32, #tpu.memory_space<vmem_shared>>
    tpu.wait_indirect_dma semaphore(%arg23 : memref<!tpu.dma_semaphore, #tpu.memory_space<semaphore_mem>>) src(%arg10 : memref<128x128xf32, #tpu.memory_space<vmem>>) dst(%dma_wait3A_61 : memref<1024x128xf32, #tpu.memory_space<vmem_shared>>)
    %add3A_62 = arith.constant 384 : i32
    %add3A_63 = arith.addi %mul3A_2, %add3A_62 : i32
    %dma_start3A_64 = arith.constant 0 : i32
    %dma_start3A_65 = tpu.memref_slice %arg2[%add3A_63, %dma_start3A_64] : memref<16384x128xf32, #tpu.memory_space<hbm>> -> memref<128x128xf32, #tpu.memory_space<hbm>>
    %dma_start3A_66 = arith.constant 0 : i32
    %dma_start3A_67 = tpu.memref_slice %arg2[%add3A_63, %dma_start3A_66] : memref<16384x128xf32, #tpu.memory_space<hbm>> -> memref<128x128xf32, #tpu.memory_space<hbm>>
    tpu.enqueue_dma source(%dma_start3A_67 : memref<128x128xf32, #tpu.memory_space<hbm>>) target(%arg7 : memref<128x128xf32, #tpu.memory_space<vmem>>) target_semaphore(%arg17 : memref<!tpu.dma_semaphore, #tpu.memory_space<semaphore_mem>>)
    %dma_wait3A_68 = arith.constant 0 : i32
    %dma_wait3A_69 = tpu.memref_slice %arg2[%add3A_17, %dma_wait3A_68] : memref<16384x128xf32, #tpu.memory_space<hbm>> -> memref<128x128xf32, #tpu.memory_space<hbm>>
    %dma_wait3A_70 = arith.constant 0 : i32
    %dma_wait3A_71 = tpu.memref_slice %arg2[%add3A_17, %dma_wait3A_70] : memref<16384x128xf32, #tpu.memory_space<hbm>> -> memref<128x128xf32, #tpu.memory_space<hbm>>
    tpu.wait_dma2 semaphore(%arg18 : memref<!tpu.dma_semaphore, #tpu.memory_space<semaphore_mem>>) src(%dma_wait3A_71 : memref<128x128xf32, #tpu.memory_space<hbm>>) dst(%arg8 : memref<128x128xf32, #tpu.memory_space<vmem>>)
    %dma_start3A_72 = arith.constant 0 : i32
    %dma_start3A_73 = arith.constant 0 : i32
    %dma_start3A_74 = tpu.memref_slice %arg26[%dma_start3A_72, %dma_start3A_73] : memref<1024x128xf32, #tpu.memory_space<vmem_shared>> -> memref<1024x128xf32, #tpu.memory_space<vmem_shared>>
    tpu.enqueue_indirect_dma source(%arg8 : memref<128x128xf32, #tpu.memory_space<vmem>>) target(%dma_start3A_74 : memref<1024x128xf32, #tpu.memory_space<vmem_shared>>) offsets(%arg14 : memref<128xi32, #tpu.memory_space<vmem>>) semaphore(%arg21 : memref<!tpu.dma_semaphore, #tpu.memory_space<semaphore_mem>>) {add = true}
    %scan3A_75 = arith.constant 0 : i32
    %scan3A_76 = arith.constant 0 : i32
    %scan3A_77 = arith.constant 128 : i32
    %scan3A_78 = arith.addi %scan3A_76, %scan3A_77 : i32
    %scan3A_79 = arith.constant 1 : i32
    scf.for %scan3A_135 = %scan3A_76 to %scan3A_78 step %scan3A_79  : i32 {
      %get3A = arith.index_cast %scan3A_135 : i32 to index
      %get3A_136 = arith.constant 0 : index
      %get3A_137 = tpu.vector_load %arg8[%get3A, %get3A_136] {strides = array<i32>} : memref<128x128xf32, #tpu.memory_space<vmem>>, vector<1x16xf32>,
      %get3A_138 = vector.shape_cast %get3A_137 : vector<1x16xf32> to vector<16xf32>
      %mul3A_139 = arith.mulf %get3A_138, %get3A_138 : vector<16xf32>
      %lt3A = arith.constant 0 : i32
      %lt3A_140 = vector.broadcast %lt3A : i32 to vector<16xi32>
      %lt3A_141 = arith.cmpi slt, %and3A_40, %lt3A_140 : vector<16xi32>
      %add3A_142 = arith.constant 16 : i32
      %add3A_143 = vector.broadcast %add3A_142 : i32 to vector<16xi32>
      %add3A_144 = arith.addi %and3A_40, %add3A_143 : vector<16xi32>
      %select_n3A = arith.select %lt3A_141, %add3A_144, %and3A_40 : vector<16xi1>, vector<16xi32>
      %broadcast_in_dim3A_145 = vector.shape_cast %select_n3A : vector<16xi32> to vector<16x1xi32>
      %gather3A = vector.shape_cast %broadcast_in_dim3A_145 : vector<16x1xi32> to vector<16xi32>
      %gather3A_146 = tpu.dynamic_gather %mul3A_139[%gather3A] in [0] : vector<16xf32>, vector<16xi32> -> vector<16xf32>
      %eq3A = arith.constant 1 : i32
      %eq3A_147 = vector.broadcast %eq3A : i32 to vector<16xi32>
      %eq3A_148 = arith.cmpi eq, %iota3A, %eq3A_147 : vector<16xi32>
      %add3A_149 = arith.addf %mul3A_139, %gather3A_146 : vector<16xf32>
      %select_n3A_150 = arith.select %eq3A_148, %add3A_149, %mul3A_139 : vector<16xi1>, vector<16xf32>
      %eq3A_151 = arith.constant 0 : i32
      %eq3A_152 = vector.broadcast %eq3A_151 : i32 to vector<16xi32>
      %eq3A_153 = arith.cmpi eq, %iota3A, %eq3A_152 : vector<16xi32>
      %jit3A = arith.constant 1.000000e+00 : f32
      %broadcast_in_dim3A_154 = vector.broadcast %jit3A : f32 to vector<16xf32>
      %select_n3A_155 = arith.select %eq3A_153, %broadcast_in_dim3A_154, %select_n3A_150 : vector<16xi1>, vector<16xf32>
      %swap3A = arith.index_cast %scan3A_135 : i32 to index
      %swap3A_156 = arith.constant 0 : index
      %swap3A_157 = tpu.vector_load %arg11[%swap3A, %swap3A_156] {strides = array<i32>} : memref<128x128xf32, #tpu.memory_space<vmem>>, vector<1x16xf32>,
      %swap3A_158 = vector.shape_cast %swap3A_157 : vector<1x16xf32> to vector<16xf32>
      %swap3A_159 = vector.shape_cast %select_n3A_155 : vector<16xf32> to vector<1x16xf32>
      tpu.vector_store %arg11[%swap3A, %swap3A_156], %swap3A_159 {strides = array<i32>} : memref<128x128xf32, #tpu.memory_space<vmem>>, vector<1x16xf32>,
      %get3A_160 = arith.index_cast %scan3A_135 : i32 to index
      %get3A_161 = arith.constant 16 : index
      %get3A_162 = tpu.vector_load %arg8[%get3A_160, %get3A_161] {strides = array<i32>} : memref<128x128xf32, #tpu.memory_space<vmem>>, vector<1x16xf32>,
      %get3A_163 = vector.shape_cast %get3A_162 : vector<1x16xf32> to vector<16xf32>
      %mul3A_164 = arith.mulf %get3A_163, %get3A_163 : vector<16xf32>
      %swap3A_165 = arith.index_cast %scan3A_135 : i32 to index
      %swap3A_166 = arith.constant 16 : index
      %swap3A_167 = tpu.vector_load %arg11[%swap3A_165, %swap3A_166] {strides = array<i32>} : memref<128x128xf32, #tpu.memory_space<vmem>>, vector<1x16xf32>,
      %swap3A_168 = vector.shape_cast %swap3A_167 : vector<1x16xf32> to vector<16xf32>
      %swap3A_169 = vector.shape_cast %mul3A_164 : vector<16xf32> to vector<1x16xf32>
      tpu.vector_store %arg11[%swap3A_165, %swap3A_166], %swap3A_169 {strides = array<i32>} : memref<128x128xf32, #tpu.memory_space<vmem>>, vector<1x16xf32>,
      %get3A_170 = arith.index_cast %scan3A_135 : i32 to index
      %get3A_171 = arith.constant 32 : index
      %get3A_172 = tpu.vector_load %arg8[%get3A_170, %get3A_171] {strides = array<i32>} : memref<128x128xf32, #tpu.memory_space<vmem>>, vector<1x16xf32>,
      %get3A_173 = vector.shape_cast %get3A_172 : vector<1x16xf32> to vector<16xf32>
      %mul3A_174 = arith.mulf %get3A_173, %get3A_173 : vector<16xf32>
      %swap3A_175 = arith.index_cast %scan3A_135 : i32 to index
      %swap3A_176 = arith.constant 32 : index
      %swap3A_177 = tpu.vector_load %arg11[%swap3A_175, %swap3A_176] {strides = array<i32>} : memref<128x128xf32, #tpu.memory_space<vmem>>, vector<1x16xf32>,
      %swap3A_178 = vector.shape_cast %swap3A_177 : vector<1x16xf32> to vector<16xf32>
      %swap3A_179 = vector.shape_cast %mul3A_174 : vector<16xf32> to vector<1x16xf32>
      tpu.vector_store %arg11[%swap3A_175, %swap3A_176], %swap3A_179 {strides = array<i32>} : memref<128x128xf32, #tpu.memory_space<vmem>>, vector<1x16xf32>,
      %get3A_180 = arith.index_cast %scan3A_135 : i32 to index
      %get3A_181 = arith.constant 48 : index
      %get3A_182 = tpu.vector_load %arg8[%get3A_180, %get3A_181] {strides = array<i32>} : memref<128x128xf32, #tpu.memory_space<vmem>>, vector<1x16xf32>,
      %get3A_183 = vector.shape_cast %get3A_182 : vector<1x16xf32> to vector<16xf32>
      %mul3A_184 = arith.mulf %get3A_183, %get3A_183 : vector<16xf32>
      %swap3A_185 = arith.index_cast %scan3A_135 : i32 to index
      %swap3A_186 = arith.constant 48 : index
      %swap3A_187 = tpu.vector_load %arg11[%swap3A_185, %swap3A_186] {strides = array<i32>} : memref<128x128xf32, #tpu.memory_space<vmem>>, vector<1x16xf32>,
      %swap3A_188 = vector.shape_cast %swap3A_187 : vector<1x16xf32> to vector<16xf32>
      %swap3A_189 = vector.shape_cast %mul3A_184 : vector<16xf32> to vector<1x16xf32>
      tpu.vector_store %arg11[%swap3A_185, %swap3A_186], %swap3A_189 {strides = array<i32>} : memref<128x128xf32, #tpu.memory_space<vmem>>, vector<1x16xf32>,
      %get3A_190 = arith.index_cast %scan3A_135 : i32 to index
      %get3A_191 = arith.constant 64 : index
      %get3A_192 = tpu.vector_load %arg8[%get3A_190, %get3A_191] {strides = array<i32>} : memref<128x128xf32, #tpu.memory_space<vmem>>, vector<1x16xf32>,
      %get3A_193 = vector.shape_cast %get3A_192 : vector<1x16xf32> to vector<16xf32>
      %mul3A_194 = arith.mulf %get3A_193, %get3A_193 : vector<16xf32>
      %swap3A_195 = arith.index_cast %scan3A_135 : i32 to index
      %swap3A_196 = arith.constant 64 : index
      %swap3A_197 = tpu.vector_load %arg11[%swap3A_195, %swap3A_196] {strides = array<i32>} : memref<128x128xf32, #tpu.memory_space<vmem>>, vector<1x16xf32>,
      %swap3A_198 = vector.shape_cast %swap3A_197 : vector<1x16xf32> to vector<16xf32>
      %swap3A_199 = vector.shape_cast %mul3A_194 : vector<16xf32> to vector<1x16xf32>
      tpu.vector_store %arg11[%swap3A_195, %swap3A_196], %swap3A_199 {strides = array<i32>} : memref<128x128xf32, #tpu.memory_space<vmem>>, vector<1x16xf32>,
      %get3A_200 = arith.index_cast %scan3A_135 : i32 to index
      %get3A_201 = arith.constant 80 : index
      %get3A_202 = tpu.vector_load %arg8[%get3A_200, %get3A_201] {strides = array<i32>} : memref<128x128xf32, #tpu.memory_space<vmem>>, vector<1x16xf32>,
      %get3A_203 = vector.shape_cast %get3A_202 : vector<1x16xf32> to vector<16xf32>
      %mul3A_204 = arith.mulf %get3A_203, %get3A_203 : vector<16xf32>
      %swap3A_205 = arith.index_cast %scan3A_135 : i32 to index
      %swap3A_206 = arith.constant 80 : index
      %swap3A_207 = tpu.vector_load %arg11[%swap3A_205, %swap3A_206] {strides = array<i32>} : memref<128x128xf32, #tpu.memory_space<vmem>>, vector<1x16xf32>,
      %swap3A_208 = vector.shape_cast %swap3A_207 : vector<1x16xf32> to vector<16xf32>
      %swap3A_209 = vector.shape_cast %mul3A_204 : vector<16xf32> to vector<1x16xf32>
      tpu.vector_store %arg11[%swap3A_205, %swap3A_206], %swap3A_209 {strides = array<i32>} : memref<128x128xf32, #tpu.memory_space<vmem>>, vector<1x16xf32>,
      %get3A_210 = arith.index_cast %scan3A_135 : i32 to index
      %get3A_211 = arith.constant 96 : index
      %get3A_212 = tpu.vector_load %arg8[%get3A_210, %get3A_211] {strides = array<i32>} : memref<128x128xf32, #tpu.memory_space<vmem>>, vector<1x16xf32>,
      %get3A_213 = vector.shape_cast %get3A_212 : vector<1x16xf32> to vector<16xf32>
      %mul3A_214 = arith.mulf %get3A_213, %get3A_213 : vector<16xf32>
      %swap3A_215 = arith.index_cast %scan3A_135 : i32 to index
      %swap3A_216 = arith.constant 96 : index
      %swap3A_217 = tpu.vector_load %arg11[%swap3A_215, %swap3A_216] {strides = array<i32>} : memref<128x128xf32, #tpu.memory_space<vmem>>, vector<1x16xf32>,
      %swap3A_218 = vector.shape_cast %swap3A_217 : vector<1x16xf32> to vector<16xf32>
      %swap3A_219 = vector.shape_cast %mul3A_214 : vector<16xf32> to vector<1x16xf32>
      tpu.vector_store %arg11[%swap3A_215, %swap3A_216], %swap3A_219 {strides = array<i32>} : memref<128x128xf32, #tpu.memory_space<vmem>>, vector<1x16xf32>,
      %get3A_220 = arith.index_cast %scan3A_135 : i32 to index
      %get3A_221 = arith.constant 112 : index
      %get3A_222 = tpu.vector_load %arg8[%get3A_220, %get3A_221] {strides = array<i32>} : memref<128x128xf32, #tpu.memory_space<vmem>>, vector<1x16xf32>,
      %get3A_223 = vector.shape_cast %get3A_222 : vector<1x16xf32> to vector<16xf32>
      %mul3A_224 = arith.mulf %get3A_223, %get3A_223 : vector<16xf32>
      %swap3A_225 = arith.index_cast %scan3A_135 : i32 to index
      %swap3A_226 = arith.constant 112 : index
      %swap3A_227 = tpu.vector_load %arg11[%swap3A_225, %swap3A_226] {strides = array<i32>} : memref<128x128xf32, #tpu.memory_space<vmem>>, vector<1x16xf32>,
      %swap3A_228 = vector.shape_cast %swap3A_227 : vector<1x16xf32> to vector<16xf32>
      %swap3A_229 = vector.shape_cast %mul3A_224 : vector<16xf32> to vector<1x16xf32>
      tpu.vector_store %arg11[%swap3A_225, %swap3A_226], %swap3A_229 {strides = array<i32>} : memref<128x128xf32, #tpu.memory_space<vmem>>, vector<1x16xf32>,
    }
    %scan3A_80 = arith.constant 128 : i32
    %dma_start3A_81 = arith.constant 0 : i32
    %dma_start3A_82 = arith.constant 0 : i32
    %dma_start3A_83 = tpu.memref_slice %arg27[%dma_start3A_81, %dma_start3A_82] : memref<1024x128xf32, #tpu.memory_space<vmem_shared>> -> memref<1024x128xf32, #tpu.memory_space<vmem_shared>>
    tpu.enqueue_indirect_dma source(%arg11 : memref<128x128xf32, #tpu.memory_space<vmem>>) target(%dma_start3A_83 : memref<1024x128xf32, #tpu.memory_space<vmem_shared>>) offsets(%arg14 : memref<128xi32, #tpu.memory_space<vmem>>) semaphore(%arg24 : memref<!tpu.dma_semaphore, #tpu.memory_space<semaphore_mem>>) {add = true}
    %dma_wait3A_84 = arith.constant 0 : i32
    %dma_wait3A_85 = tpu.memref_slice %arg2[%add3A_23, %dma_wait3A_84] : memref<16384x128xf32, #tpu.memory_space<hbm>> -> memref<128x128xf32, #tpu.memory_space<hbm>>
    %dma_wait3A_86 = arith.constant 0 : i32
    %dma_wait3A_87 = tpu.memref_slice %arg2[%add3A_23, %dma_wait3A_86] : memref<16384x128xf32, #tpu.memory_space<hbm>> -> memref<128x128xf32, #tpu.memory_space<hbm>>
    tpu.wait_dma2 semaphore(%arg19 : memref<!tpu.dma_semaphore, #tpu.memory_space<semaphore_mem>>) src(%dma_wait3A_87 : memref<128x128xf32, #tpu.memory_space<hbm>>) dst(%arg9 : memref<128x128xf32, #tpu.memory_space<vmem>>)
    %dma_start3A_88 = arith.constant 0 : i32
    %dma_start3A_89 = arith.constant 0 : i32
    %dma_start3A_90 = tpu.memref_slice %arg26[%dma_start3A_88, %dma_start3A_89] : memref<1024x128xf32, #tpu.memory_space<vmem_shared>> -> memref<1024x128xf32, #tpu.memory_space<vmem_shared>>
    tpu.enqueue_indirect_dma source(%arg9 : memref<128x128xf32, #tpu.memory_space<vmem>>) target(%dma_start3A_90 : memref<1024x128xf32, #tpu.memory_space<vmem_shared>>) offsets(%arg15 : memref<128xi32, #tpu.memory_space<vmem>>) semaphore(%arg22 : memref<!tpu.dma_semaphore, #tpu.memory_space<semaphore_mem>>) {add = true}
    %scan3A_91 = arith.constant 0 : i32
    %scan3A_92 = arith.constant 0 : i32
    %scan3A_93 = arith.constant 128 : i32
    %scan3A_94 = arith.addi %scan3A_92, %scan3A_93 : i32
    %scan3A_95 = arith.constant 1 : i32
    scf.for %scan3A_135 = %scan3A_92 to %scan3A_94 step %scan3A_95  : i32 {
      %get3A = arith.index_cast %scan3A_135 : i32 to index
      %get3A_136 = arith.constant 0 : index
      %get3A_137 = tpu.vector_load %arg9[%get3A, %get3A_136] {strides = array<i32>} : memref<128x128xf32, #tpu.memory_space<vmem>>, vector<1x16xf32>,
      %get3A_138 = vector.shape_cast %get3A_137 : vector<1x16xf32> to vector<16xf32>
      %mul3A_139 = arith.mulf %get3A_138, %get3A_138 : vector<16xf32>
      %lt3A = arith.constant 0 : i32
      %lt3A_140 = vector.broadcast %lt3A : i32 to vector<16xi32>
      %lt3A_141 = arith.cmpi slt, %and3A_40, %lt3A_140 : vector<16xi32>
      %add3A_142 = arith.constant 16 : i32
      %add3A_143 = vector.broadcast %add3A_142 : i32 to vector<16xi32>
      %add3A_144 = arith.addi %and3A_40, %add3A_143 : vector<16xi32>
      %select_n3A = arith.select %lt3A_141, %add3A_144, %and3A_40 : vector<16xi1>, vector<16xi32>
      %broadcast_in_dim3A_145 = vector.shape_cast %select_n3A : vector<16xi32> to vector<16x1xi32>
      %gather3A = vector.shape_cast %broadcast_in_dim3A_145 : vector<16x1xi32> to vector<16xi32>
      %gather3A_146 = tpu.dynamic_gather %mul3A_139[%gather3A] in [0] : vector<16xf32>, vector<16xi32> -> vector<16xf32>
      %eq3A = arith.constant 1 : i32
      %eq3A_147 = vector.broadcast %eq3A : i32 to vector<16xi32>
      %eq3A_148 = arith.cmpi eq, %iota3A, %eq3A_147 : vector<16xi32>
      %add3A_149 = arith.addf %mul3A_139, %gather3A_146 : vector<16xf32>
      %select_n3A_150 = arith.select %eq3A_148, %add3A_149, %mul3A_139 : vector<16xi1>, vector<16xf32>
      %eq3A_151 = arith.constant 0 : i32
      %eq3A_152 = vector.broadcast %eq3A_151 : i32 to vector<16xi32>
      %eq3A_153 = arith.cmpi eq, %iota3A, %eq3A_152 : vector<16xi32>
      %jit3A = arith.constant 1.000000e+00 : f32
      %broadcast_in_dim3A_154 = vector.broadcast %jit3A : f32 to vector<16xf32>
      %select_n3A_155 = arith.select %eq3A_153, %broadcast_in_dim3A_154, %select_n3A_150 : vector<16xi1>, vector<16xf32>
      %swap3A = arith.index_cast %scan3A_135 : i32 to index
      %swap3A_156 = arith.constant 0 : index
      %swap3A_157 = tpu.vector_load %arg12[%swap3A, %swap3A_156] {strides = array<i32>} : memref<128x128xf32, #tpu.memory_space<vmem>>, vector<1x16xf32>,
      %swap3A_158 = vector.shape_cast %swap3A_157 : vector<1x16xf32> to vector<16xf32>
      %swap3A_159 = vector.shape_cast %select_n3A_155 : vector<16xf32> to vector<1x16xf32>
      tpu.vector_store %arg12[%swap3A, %swap3A_156], %swap3A_159 {strides = array<i32>} : memref<128x128xf32, #tpu.memory_space<vmem>>, vector<1x16xf32>,
      %get3A_160 = arith.index_cast %scan3A_135 : i32 to index
      %get3A_161 = arith.constant 16 : index
      %get3A_162 = tpu.vector_load %arg9[%get3A_160, %get3A_161] {strides = array<i32>} : memref<128x128xf32, #tpu.memory_space<vmem>>, vector<1x16xf32>,
      %get3A_163 = vector.shape_cast %get3A_162 : vector<1x16xf32> to vector<16xf32>
      %mul3A_164 = arith.mulf %get3A_163, %get3A_163 : vector<16xf32>
      %swap3A_165 = arith.index_cast %scan3A_135 : i32 to index
      %swap3A_166 = arith.constant 16 : index
      %swap3A_167 = tpu.vector_load %arg12[%swap3A_165, %swap3A_166] {strides = array<i32>} : memref<128x128xf32, #tpu.memory_space<vmem>>, vector<1x16xf32>,
      %swap3A_168 = vector.shape_cast %swap3A_167 : vector<1x16xf32> to vector<16xf32>
      %swap3A_169 = vector.shape_cast %mul3A_164 : vector<16xf32> to vector<1x16xf32>
      tpu.vector_store %arg12[%swap3A_165, %swap3A_166], %swap3A_169 {strides = array<i32>} : memref<128x128xf32, #tpu.memory_space<vmem>>, vector<1x16xf32>,
      %get3A_170 = arith.index_cast %scan3A_135 : i32 to index
      %get3A_171 = arith.constant 32 : index
      %get3A_172 = tpu.vector_load %arg9[%get3A_170, %get3A_171] {strides = array<i32>} : memref<128x128xf32, #tpu.memory_space<vmem>>, vector<1x16xf32>,
      %get3A_173 = vector.shape_cast %get3A_172 : vector<1x16xf32> to vector<16xf32>
      %mul3A_174 = arith.mulf %get3A_173, %get3A_173 : vector<16xf32>
      %swap3A_175 = arith.index_cast %scan3A_135 : i32 to index
      %swap3A_176 = arith.constant 32 : index
      %swap3A_177 = tpu.vector_load %arg12[%swap3A_175, %swap3A_176] {strides = array<i32>} : memref<128x128xf32, #tpu.memory_space<vmem>>, vector<1x16xf32>,
      %swap3A_178 = vector.shape_cast %swap3A_177 : vector<1x16xf32> to vector<16xf32>
      %swap3A_179 = vector.shape_cast %mul3A_174 : vector<16xf32> to vector<1x16xf32>
      tpu.vector_store %arg12[%swap3A_175, %swap3A_176], %swap3A_179 {strides = array<i32>} : memref<128x128xf32, #tpu.memory_space<vmem>>, vector<1x16xf32>,
      %get3A_180 = arith.index_cast %scan3A_135 : i32 to index
      %get3A_181 = arith.constant 48 : index
      %get3A_182 = tpu.vector_load %arg9[%get3A_180, %get3A_181] {strides = array<i32>} : memref<128x128xf32, #tpu.memory_space<vmem>>, vector<1x16xf32>,
      %get3A_183 = vector.shape_cast %get3A_182 : vector<1x16xf32> to vector<16xf32>
      %mul3A_184 = arith.mulf %get3A_183, %get3A_183 : vector<16xf32>
      %swap3A_185 = arith.index_cast %scan3A_135 : i32 to index
      %swap3A_186 = arith.constant 48 : index
      %swap3A_187 = tpu.vector_load %arg12[%swap3A_185, %swap3A_186] {strides = array<i32>} : memref<128x128xf32, #tpu.memory_space<vmem>>, vector<1x16xf32>,
      %swap3A_188 = vector.shape_cast %swap3A_187 : vector<1x16xf32> to vector<16xf32>
      %swap3A_189 = vector.shape_cast %mul3A_184 : vector<16xf32> to vector<1x16xf32>
      tpu.vector_store %arg12[%swap3A_185, %swap3A_186], %swap3A_189 {strides = array<i32>} : memref<128x128xf32, #tpu.memory_space<vmem>>, vector<1x16xf32>,
      %get3A_190 = arith.index_cast %scan3A_135 : i32 to index
      %get3A_191 = arith.constant 64 : index
      %get3A_192 = tpu.vector_load %arg9[%get3A_190, %get3A_191] {strides = array<i32>} : memref<128x128xf32, #tpu.memory_space<vmem>>, vector<1x16xf32>,
      %get3A_193 = vector.shape_cast %get3A_192 : vector<1x16xf32> to vector<16xf32>
      %mul3A_194 = arith.mulf %get3A_193, %get3A_193 : vector<16xf32>
      %swap3A_195 = arith.index_cast %scan3A_135 : i32 to index
      %swap3A_196 = arith.constant 64 : index
      %swap3A_197 = tpu.vector_load %arg12[%swap3A_195, %swap3A_196] {strides = array<i32>} : memref<128x128xf32, #tpu.memory_space<vmem>>, vector<1x16xf32>,
      %swap3A_198 = vector.shape_cast %swap3A_197 : vector<1x16xf32> to vector<16xf32>
      %swap3A_199 = vector.shape_cast %mul3A_194 : vector<16xf32> to vector<1x16xf32>
      tpu.vector_store %arg12[%swap3A_195, %swap3A_196], %swap3A_199 {strides = array<i32>} : memref<128x128xf32, #tpu.memory_space<vmem>>, vector<1x16xf32>,
      %get3A_200 = arith.index_cast %scan3A_135 : i32 to index
      %get3A_201 = arith.constant 80 : index
      %get3A_202 = tpu.vector_load %arg9[%get3A_200, %get3A_201] {strides = array<i32>} : memref<128x128xf32, #tpu.memory_space<vmem>>, vector<1x16xf32>,
      %get3A_203 = vector.shape_cast %get3A_202 : vector<1x16xf32> to vector<16xf32>
      %mul3A_204 = arith.mulf %get3A_203, %get3A_203 : vector<16xf32>
      %swap3A_205 = arith.index_cast %scan3A_135 : i32 to index
      %swap3A_206 = arith.constant 80 : index
      %swap3A_207 = tpu.vector_load %arg12[%swap3A_205, %swap3A_206] {strides = array<i32>} : memref<128x128xf32, #tpu.memory_space<vmem>>, vector<1x16xf32>,
      %swap3A_208 = vector.shape_cast %swap3A_207 : vector<1x16xf32> to vector<16xf32>
      %swap3A_209 = vector.shape_cast %mul3A_204 : vector<16xf32> to vector<1x16xf32>
      tpu.vector_store %arg12[%swap3A_205, %swap3A_206], %swap3A_209 {strides = array<i32>} : memref<128x128xf32, #tpu.memory_space<vmem>>, vector<1x16xf32>,
      %get3A_210 = arith.index_cast %scan3A_135 : i32 to index
      %get3A_211 = arith.constant 96 : index
      %get3A_212 = tpu.vector_load %arg9[%get3A_210, %get3A_211] {strides = array<i32>} : memref<128x128xf32, #tpu.memory_space<vmem>>, vector<1x16xf32>,
      %get3A_213 = vector.shape_cast %get3A_212 : vector<1x16xf32> to vector<16xf32>
      %mul3A_214 = arith.mulf %get3A_213, %get3A_213 : vector<16xf32>
      %swap3A_215 = arith.index_cast %scan3A_135 : i32 to index
      %swap3A_216 = arith.constant 96 : index
      %swap3A_217 = tpu.vector_load %arg12[%swap3A_215, %swap3A_216] {strides = array<i32>} : memref<128x128xf32, #tpu.memory_space<vmem>>, vector<1x16xf32>,
      %swap3A_218 = vector.shape_cast %swap3A_217 : vector<1x16xf32> to vector<16xf32>
      %swap3A_219 = vector.shape_cast %mul3A_214 : vector<16xf32> to vector<1x16xf32>
      tpu.vector_store %arg12[%swap3A_215, %swap3A_216], %swap3A_219 {strides = array<i32>} : memref<128x128xf32, #tpu.memory_space<vmem>>, vector<1x16xf32>,
      %get3A_220 = arith.index_cast %scan3A_135 : i32 to index
      %get3A_221 = arith.constant 112 : index
      %get3A_222 = tpu.vector_load %arg9[%get3A_220, %get3A_221] {strides = array<i32>} : memref<128x128xf32, #tpu.memory_space<vmem>>, vector<1x16xf32>,
      %get3A_223 = vector.shape_cast %get3A_222 : vector<1x16xf32> to vector<16xf32>
      %mul3A_224 = arith.mulf %get3A_223, %get3A_223 : vector<16xf32>
      %swap3A_225 = arith.index_cast %scan3A_135 : i32 to index
      %swap3A_226 = arith.constant 112 : index
      %swap3A_227 = tpu.vector_load %arg12[%swap3A_225, %swap3A_226] {strides = array<i32>} : memref<128x128xf32, #tpu.memory_space<vmem>>, vector<1x16xf32>,
      %swap3A_228 = vector.shape_cast %swap3A_227 : vector<1x16xf32> to vector<16xf32>
      %swap3A_229 = vector.shape_cast %mul3A_224 : vector<16xf32> to vector<1x16xf32>
      tpu.vector_store %arg12[%swap3A_225, %swap3A_226], %swap3A_229 {strides = array<i32>} : memref<128x128xf32, #tpu.memory_space<vmem>>, vector<1x16xf32>,
    }
    %scan3A_96 = arith.constant 128 : i32
    %dma_start3A_97 = arith.constant 0 : i32
    %dma_start3A_98 = arith.constant 0 : i32
    %dma_start3A_99 = tpu.memref_slice %arg27[%dma_start3A_97, %dma_start3A_98] : memref<1024x128xf32, #tpu.memory_space<vmem_shared>> -> memref<1024x128xf32, #tpu.memory_space<vmem_shared>>
    tpu.enqueue_indirect_dma source(%arg12 : memref<128x128xf32, #tpu.memory_space<vmem>>) target(%dma_start3A_99 : memref<1024x128xf32, #tpu.memory_space<vmem_shared>>) offsets(%arg15 : memref<128xi32, #tpu.memory_space<vmem>>) semaphore(%arg25 : memref<!tpu.dma_semaphore, #tpu.memory_space<semaphore_mem>>) {add = true}
    %dma_wait3A_100 = arith.constant 0 : i32
    %dma_wait3A_101 = tpu.memref_slice %arg2[%add3A_63, %dma_wait3A_100] : memref<16384x128xf32, #tpu.memory_space<hbm>> -> memref<128x128xf32, #tpu.memory_space<hbm>>
    %dma_wait3A_102 = arith.constant 0 : i32
    %dma_wait3A_103 = tpu.memref_slice %arg2[%add3A_63, %dma_wait3A_102] : memref<16384x128xf32, #tpu.memory_space<hbm>> -> memref<128x128xf32, #tpu.memory_space<hbm>>
    tpu.wait_dma2 semaphore(%arg17 : memref<!tpu.dma_semaphore, #tpu.memory_space<semaphore_mem>>) src(%dma_wait3A_103 : memref<128x128xf32, #tpu.memory_space<hbm>>) dst(%arg7 : memref<128x128xf32, #tpu.memory_space<vmem>>)
    %dma_start3A_104 = arith.constant 0 : i32
    %dma_start3A_105 = arith.constant 0 : i32
    %dma_start3A_106 = tpu.memref_slice %arg26[%dma_start3A_104, %dma_start3A_105] : memref<1024x128xf32, #tpu.memory_space<vmem_shared>> -> memref<1024x128xf32, #tpu.memory_space<vmem_shared>>
    tpu.enqueue_indirect_dma source(%arg7 : memref<128x128xf32, #tpu.memory_space<vmem>>) target(%dma_start3A_106 : memref<1024x128xf32, #tpu.memory_space<vmem_shared>>) offsets(%arg16 : memref<128xi32, #tpu.memory_space<vmem>>) semaphore(%arg20 : memref<!tpu.dma_semaphore, #tpu.memory_space<semaphore_mem>>) {add = true}
    %scan3A_107 = arith.constant 0 : i32
    %scan3A_108 = arith.constant 0 : i32
    %scan3A_109 = arith.constant 128 : i32
    %scan3A_110 = arith.addi %scan3A_108, %scan3A_109 : i32
    %scan3A_111 = arith.constant 1 : i32
    scf.for %scan3A_135 = %scan3A_108 to %scan3A_110 step %scan3A_111  : i32 {
      %get3A = arith.index_cast %scan3A_135 : i32 to index
      %get3A_136 = arith.constant 0 : index
      %get3A_137 = tpu.vector_load %arg7[%get3A, %get3A_136] {strides = array<i32>} : memref<128x128xf32, #tpu.memory_space<vmem>>, vector<1x16xf32>,
      %get3A_138 = vector.shape_cast %get3A_137 : vector<1x16xf32> to vector<16xf32>
      %mul3A_139 = arith.mulf %get3A_138, %get3A_138 : vector<16xf32>
      %lt3A = arith.constant 0 : i32
      %lt3A_140 = vector.broadcast %lt3A : i32 to vector<16xi32>
      %lt3A_141 = arith.cmpi slt, %and3A_40, %lt3A_140 : vector<16xi32>
      %add3A_142 = arith.constant 16 : i32
      %add3A_143 = vector.broadcast %add3A_142 : i32 to vector<16xi32>
      %add3A_144 = arith.addi %and3A_40, %add3A_143 : vector<16xi32>
      %select_n3A = arith.select %lt3A_141, %add3A_144, %and3A_40 : vector<16xi1>, vector<16xi32>
      %broadcast_in_dim3A_145 = vector.shape_cast %select_n3A : vector<16xi32> to vector<16x1xi32>
      %gather3A = vector.shape_cast %broadcast_in_dim3A_145 : vector<16x1xi32> to vector<16xi32>
      %gather3A_146 = tpu.dynamic_gather %mul3A_139[%gather3A] in [0] : vector<16xf32>, vector<16xi32> -> vector<16xf32>
      %eq3A = arith.constant 1 : i32
      %eq3A_147 = vector.broadcast %eq3A : i32 to vector<16xi32>
      %eq3A_148 = arith.cmpi eq, %iota3A, %eq3A_147 : vector<16xi32>
      %add3A_149 = arith.addf %mul3A_139, %gather3A_146 : vector<16xf32>
      %select_n3A_150 = arith.select %eq3A_148, %add3A_149, %mul3A_139 : vector<16xi1>, vector<16xf32>
      %eq3A_151 = arith.constant 0 : i32
      %eq3A_152 = vector.broadcast %eq3A_151 : i32 to vector<16xi32>
      %eq3A_153 = arith.cmpi eq, %iota3A, %eq3A_152 : vector<16xi32>
      %jit3A = arith.constant 1.000000e+00 : f32
      %broadcast_in_dim3A_154 = vector.broadcast %jit3A : f32 to vector<16xf32>
      %select_n3A_155 = arith.select %eq3A_153, %broadcast_in_dim3A_154, %select_n3A_150 : vector<16xi1>, vector<16xf32>
      %swap3A = arith.index_cast %scan3A_135 : i32 to index
      %swap3A_156 = arith.constant 0 : index
      %swap3A_157 = tpu.vector_load %arg10[%swap3A, %swap3A_156] {strides = array<i32>} : memref<128x128xf32, #tpu.memory_space<vmem>>, vector<1x16xf32>,
      %swap3A_158 = vector.shape_cast %swap3A_157 : vector<1x16xf32> to vector<16xf32>
      %swap3A_159 = vector.shape_cast %select_n3A_155 : vector<16xf32> to vector<1x16xf32>
      tpu.vector_store %arg10[%swap3A, %swap3A_156], %swap3A_159 {strides = array<i32>} : memref<128x128xf32, #tpu.memory_space<vmem>>, vector<1x16xf32>,
      %get3A_160 = arith.index_cast %scan3A_135 : i32 to index
      %get3A_161 = arith.constant 16 : index
      %get3A_162 = tpu.vector_load %arg7[%get3A_160, %get3A_161] {strides = array<i32>} : memref<128x128xf32, #tpu.memory_space<vmem>>, vector<1x16xf32>,
      %get3A_163 = vector.shape_cast %get3A_162 : vector<1x16xf32> to vector<16xf32>
      %mul3A_164 = arith.mulf %get3A_163, %get3A_163 : vector<16xf32>
      %swap3A_165 = arith.index_cast %scan3A_135 : i32 to index
      %swap3A_166 = arith.constant 16 : index
      %swap3A_167 = tpu.vector_load %arg10[%swap3A_165, %swap3A_166] {strides = array<i32>} : memref<128x128xf32, #tpu.memory_space<vmem>>, vector<1x16xf32>,
      %swap3A_168 = vector.shape_cast %swap3A_167 : vector<1x16xf32> to vector<16xf32>
      %swap3A_169 = vector.shape_cast %mul3A_164 : vector<16xf32> to vector<1x16xf32>
      tpu.vector_store %arg10[%swap3A_165, %swap3A_166], %swap3A_169 {strides = array<i32>} : memref<128x128xf32, #tpu.memory_space<vmem>>, vector<1x16xf32>,
      %get3A_170 = arith.index_cast %scan3A_135 : i32 to index
      %get3A_171 = arith.constant 32 : index
      %get3A_172 = tpu.vector_load %arg7[%get3A_170, %get3A_171] {strides = array<i32>} : memref<128x128xf32, #tpu.memory_space<vmem>>, vector<1x16xf32>,
      %get3A_173 = vector.shape_cast %get3A_172 : vector<1x16xf32> to vector<16xf32>
      %mul3A_174 = arith.mulf %get3A_173, %get3A_173 : vector<16xf32>
      %swap3A_175 = arith.index_cast %scan3A_135 : i32 to index
      %swap3A_176 = arith.constant 32 : index
      %swap3A_177 = tpu.vector_load %arg10[%swap3A_175, %swap3A_176] {strides = array<i32>} : memref<128x128xf32, #tpu.memory_space<vmem>>, vector<1x16xf32>,
      %swap3A_178 = vector.shape_cast %swap3A_177 : vector<1x16xf32> to vector<16xf32>
      %swap3A_179 = vector.shape_cast %mul3A_174 : vector<16xf32> to vector<1x16xf32>
      tpu.vector_store %arg10[%swap3A_175, %swap3A_176], %swap3A_179 {strides = array<i32>} : memref<128x128xf32, #tpu.memory_space<vmem>>, vector<1x16xf32>,
      %get3A_180 = arith.index_cast %scan3A_135 : i32 to index
      %get3A_181 = arith.constant 48 : index
      %get3A_182 = tpu.vector_load %arg7[%get3A_180, %get3A_181] {strides = array<i32>} : memref<128x128xf32, #tpu.memory_space<vmem>>, vector<1x16xf32>,
      %get3A_183 = vector.shape_cast %get3A_182 : vector<1x16xf32> to vector<16xf32>
      %mul3A_184 = arith.mulf %get3A_183, %get3A_183 : vector<16xf32>
      %swap3A_185 = arith.index_cast %scan3A_135 : i32 to index
      %swap3A_186 = arith.constant 48 : index
      %swap3A_187 = tpu.vector_load %arg10[%swap3A_185, %swap3A_186] {strides = array<i32>} : memref<128x128xf32, #tpu.memory_space<vmem>>, vector<1x16xf32>,
      %swap3A_188 = vector.shape_cast %swap3A_187 : vector<1x16xf32> to vector<16xf32>
      %swap3A_189 = vector.shape_cast %mul3A_184 : vector<16xf32> to vector<1x16xf32>
      tpu.vector_store %arg10[%swap3A_185, %swap3A_186], %swap3A_189 {strides = array<i32>} : memref<128x128xf32, #tpu.memory_space<vmem>>, vector<1x16xf32>,
      %get3A_190 = arith.index_cast %scan3A_135 : i32 to index
      %get3A_191 = arith.constant 64 : index
      %get3A_192 = tpu.vector_load %arg7[%get3A_190, %get3A_191] {strides = array<i32>} : memref<128x128xf32, #tpu.memory_space<vmem>>, vector<1x16xf32>,
      %get3A_193 = vector.shape_cast %get3A_192 : vector<1x16xf32> to vector<16xf32>
      %mul3A_194 = arith.mulf %get3A_193, %get3A_193 : vector<16xf32>
      %swap3A_195 = arith.index_cast %scan3A_135 : i32 to index
      %swap3A_196 = arith.constant 64 : index
      %swap3A_197 = tpu.vector_load %arg10[%swap3A_195, %swap3A_196] {strides = array<i32>} : memref<128x128xf32, #tpu.memory_space<vmem>>, vector<1x16xf32>,
      %swap3A_198 = vector.shape_cast %swap3A_197 : vector<1x16xf32> to vector<16xf32>
      %swap3A_199 = vector.shape_cast %mul3A_194 : vector<16xf32> to vector<1x16xf32>
      tpu.vector_store %arg10[%swap3A_195, %swap3A_196], %swap3A_199 {strides = array<i32>} : memref<128x128xf32, #tpu.memory_space<vmem>>, vector<1x16xf32>,
      %get3A_200 = arith.index_cast %scan3A_135 : i32 to index
      %get3A_201 = arith.constant 80 : index
      %get3A_202 = tpu.vector_load %arg7[%get3A_200, %get3A_201] {strides = array<i32>} : memref<128x128xf32, #tpu.memory_space<vmem>>, vector<1x16xf32>,
      %get3A_203 = vector.shape_cast %get3A_202 : vector<1x16xf32> to vector<16xf32>
      %mul3A_204 = arith.mulf %get3A_203, %get3A_203 : vector<16xf32>
      %swap3A_205 = arith.index_cast %scan3A_135 : i32 to index
      %swap3A_206 = arith.constant 80 : index
      %swap3A_207 = tpu.vector_load %arg10[%swap3A_205, %swap3A_206] {strides = array<i32>} : memref<128x128xf32, #tpu.memory_space<vmem>>, vector<1x16xf32>,
      %swap3A_208 = vector.shape_cast %swap3A_207 : vector<1x16xf32> to vector<16xf32>
      %swap3A_209 = vector.shape_cast %mul3A_204 : vector<16xf32> to vector<1x16xf32>
      tpu.vector_store %arg10[%swap3A_205, %swap3A_206], %swap3A_209 {strides = array<i32>} : memref<128x128xf32, #tpu.memory_space<vmem>>, vector<1x16xf32>,
      %get3A_210 = arith.index_cast %scan3A_135 : i32 to index
      %get3A_211 = arith.constant 96 : index
      %get3A_212 = tpu.vector_load %arg7[%get3A_210, %get3A_211] {strides = array<i32>} : memref<128x128xf32, #tpu.memory_space<vmem>>, vector<1x16xf32>,
      %get3A_213 = vector.shape_cast %get3A_212 : vector<1x16xf32> to vector<16xf32>
      %mul3A_214 = arith.mulf %get3A_213, %get3A_213 : vector<16xf32>
      %swap3A_215 = arith.index_cast %scan3A_135 : i32 to index
      %swap3A_216 = arith.constant 96 : index
      %swap3A_217 = tpu.vector_load %arg10[%swap3A_215, %swap3A_216] {strides = array<i32>} : memref<128x128xf32, #tpu.memory_space<vmem>>, vector<1x16xf32>,
      %swap3A_218 = vector.shape_cast %swap3A_217 : vector<1x16xf32> to vector<16xf32>
      %swap3A_219 = vector.shape_cast %mul3A_214 : vector<16xf32> to vector<1x16xf32>
      tpu.vector_store %arg10[%swap3A_215, %swap3A_216], %swap3A_219 {strides = array<i32>} : memref<128x128xf32, #tpu.memory_space<vmem>>, vector<1x16xf32>,
      %get3A_220 = arith.index_cast %scan3A_135 : i32 to index
      %get3A_221 = arith.constant 112 : index
      %get3A_222 = tpu.vector_load %arg7[%get3A_220, %get3A_221] {strides = array<i32>} : memref<128x128xf32, #tpu.memory_space<vmem>>, vector<1x16xf32>,
      %get3A_223 = vector.shape_cast %get3A_222 : vector<1x16xf32> to vector<16xf32>
      %mul3A_224 = arith.mulf %get3A_223, %get3A_223 : vector<16xf32>
      %swap3A_225 = arith.index_cast %scan3A_135 : i32 to index
      %swap3A_226 = arith.constant 112 : index
      %swap3A_227 = tpu.vector_load %arg10[%swap3A_225, %swap3A_226] {strides = array<i32>} : memref<128x128xf32, #tpu.memory_space<vmem>>, vector<1x16xf32>,
      %swap3A_228 = vector.shape_cast %swap3A_227 : vector<1x16xf32> to vector<16xf32>
      %swap3A_229 = vector.shape_cast %mul3A_224 : vector<16xf32> to vector<1x16xf32>
      tpu.vector_store %arg10[%swap3A_225, %swap3A_226], %swap3A_229 {strides = array<i32>} : memref<128x128xf32, #tpu.memory_space<vmem>>, vector<1x16xf32>,
    }
    %scan3A_112 = arith.constant 128 : i32
    %dma_start3A_113 = arith.constant 0 : i32
    %dma_start3A_114 = arith.constant 0 : i32
    %dma_start3A_115 = tpu.memref_slice %arg27[%dma_start3A_113, %dma_start3A_114] : memref<1024x128xf32, #tpu.memory_space<vmem_shared>> -> memref<1024x128xf32, #tpu.memory_space<vmem_shared>>
    tpu.enqueue_indirect_dma source(%arg10 : memref<128x128xf32, #tpu.memory_space<vmem>>) target(%dma_start3A_115 : memref<1024x128xf32, #tpu.memory_space<vmem_shared>>) offsets(%arg16 : memref<128xi32, #tpu.memory_space<vmem>>) semaphore(%arg23 : memref<!tpu.dma_semaphore, #tpu.memory_space<semaphore_mem>>) {add = true}
    %dma_wait3A_116 = arith.constant 0 : i32
    %dma_wait3A_117 = arith.constant 0 : i32
    %dma_wait3A_118 = tpu.memref_slice %arg26[%dma_wait3A_116, %dma_wait3A_117] : memref<1024x128xf32, #tpu.memory_space<vmem_shared>> -> memref<1024x128xf32, #tpu.memory_space<vmem_shared>>
    tpu.wait_indirect_dma semaphore(%arg21 : memref<!tpu.dma_semaphore, #tpu.memory_space<semaphore_mem>>) src(%arg8 : memref<128x128xf32, #tpu.memory_space<vmem>>) dst(%dma_wait3A_118 : memref<1024x128xf32, #tpu.memory_space<vmem_shared>>)
    %dma_wait3A_119 = arith.constant 0 : i32
    %dma_wait3A_120 = arith.constant 0 : i32
    %dma_wait3A_121 = tpu.memref_slice %arg27[%dma_wait3A_119, %dma_wait3A_120] : memref<1024x128xf32, #tpu.memory_space<vmem_shared>> -> memref<1024x128xf32, #tpu.memory_space<vmem_shared>>
    tpu.wait_indirect_dma semaphore(%arg24 : memref<!tpu.dma_semaphore, #tpu.memory_space<semaphore_mem>>) src(%arg11 : memref<128x128xf32, #tpu.memory_space<vmem>>) dst(%dma_wait3A_121 : memref<1024x128xf32, #tpu.memory_space<vmem_shared>>)
    %dma_wait3A_122 = arith.constant 0 : i32
    %dma_wait3A_123 = arith.constant 0 : i32
    %dma_wait3A_124 = tpu.memref_slice %arg26[%dma_wait3A_122, %dma_wait3A_123] : memref<1024x128xf32, #tpu.memory_space<vmem_shared>> -> memref<1024x128xf32, #tpu.memory_space<vmem_shared>>
    tpu.wait_indirect_dma semaphore(%arg22 : memref<!tpu.dma_semaphore, #tpu.memory_space<semaphore_mem>>) src(%arg9 : memref<128x128xf32, #tpu.memory_space<vmem>>) dst(%dma_wait3A_124 : memref<1024x128xf32, #tpu.memory_space<vmem_shared>>)
    %dma_wait3A_125 = arith.constant 0 : i32
    %dma_wait3A_126 = arith.constant 0 : i32
    %dma_wait3A_127 = tpu.memref_slice %arg27[%dma_wait3A_125, %dma_wait3A_126] : memref<1024x128xf32, #tpu.memory_space<vmem_shared>> -> memref<1024x128xf32, #tpu.memory_space<vmem_shared>>
    tpu.wait_indirect_dma semaphore(%arg25 : memref<!tpu.dma_semaphore, #tpu.memory_space<semaphore_mem>>) src(%arg12 : memref<128x128xf32, #tpu.memory_space<vmem>>) dst(%dma_wait3A_127 : memref<1024x128xf32, #tpu.memory_space<vmem_shared>>)
    %dma_wait3A_128 = arith.constant 0 : i32
    %dma_wait3A_129 = arith.constant 0 : i32
    %dma_wait3A_130 = tpu.memref_slice %arg26[%dma_wait3A_128, %dma_wait3A_129] : memref<1024x128xf32, #tpu.memory_space<vmem_shared>> -> memref<1024x128xf32, #tpu.memory_space<vmem_shared>>
    tpu.wait_indirect_dma semaphore(%arg20 : memref<!tpu.dma_semaphore, #tpu.memory_space<semaphore_mem>>) src(%arg7 : memref<128x128xf32, #tpu.memory_space<vmem>>) dst(%dma_wait3A_130 : memref<1024x128xf32, #tpu.memory_space<vmem_shared>>)
    %dma_wait3A_131 = arith.constant 0 : i32
    %dma_wait3A_132 = arith.constant 0 : i32
    %dma_wait3A_133 = tpu.memref_slice %arg27[%dma_wait3A_131, %dma_wait3A_132] : memref<1024x128xf32, #tpu.memory_space<vmem_shared>> -> memref<1024x128xf32, #tpu.memory_space<vmem_shared>>
    tpu.wait_indirect_dma semaphore(%arg23 : memref<!tpu.dma_semaphore, #tpu.memory_space<semaphore_mem>>) src(%arg10 : memref<128x128xf32, #tpu.memory_space<vmem>>) dst(%dma_wait3A_133 : memref<1024x128xf32, #tpu.memory_space<vmem_shared>>)
    %barrier3A_134 = arith.constant 0 : index
    tpu.barrier barrier_id(%barrier3A_134)
    "tpu.region"() ({
      %run_scoped3A = tpu.sem_alloc : memref<!tpu.dma_semaphore, #tpu.memory_space<semaphore_mem>>
      %dma_start3A_135 = arith.constant 0 : i32
      %dma_start3A_136 = tpu.memref_slice %arg4[%arg0, %mul3A_35, %dma_start3A_135] : memref<2x1024x128xf32, #tpu.memory_space<hbm>> -> memref<1x64x128xf32, #tpu.memory_space<hbm>>
      %dma_start3A_137 = tpu.memref_squeeze %dma_start3A_136 : memref<1x64x128xf32, #tpu.memory_space<hbm>> -> memref<64x128xf32, #tpu.memory_space<hbm>>
      %dma_start3A_138 = arith.constant 0 : i32
      %dma_start3A_139 = tpu.memref_slice %arg26[%mul3A_35, %dma_start3A_138] : memref<1024x128xf32, #tpu.memory_space<vmem_shared>> -> memref<64x128xf32, #tpu.memory_space<vmem_shared>>
      tpu.enqueue_dma source(%dma_start3A_139 : memref<64x128xf32, #tpu.memory_space<vmem_shared>>) target(%dma_start3A_137 : memref<64x128xf32, #tpu.memory_space<hbm>>) target_semaphore(%run_scoped3A : memref<!tpu.dma_semaphore, #tpu.memory_space<semaphore_mem>>)
      %dma_wait3A_140 = arith.constant 0 : i32
      %dma_wait3A_141 = tpu.memref_slice %arg4[%arg0, %mul3A_35, %dma_wait3A_140] : memref<2x1024x128xf32, #tpu.memory_space<hbm>> -> memref<1x64x128xf32, #tpu.memory_space<hbm>>
      %dma_wait3A_142 = tpu.memref_squeeze %dma_wait3A_141 : memref<1x64x128xf32, #tpu.memory_space<hbm>> -> memref<64x128xf32, #tpu.memory_space<hbm>>
      %dma_wait3A_143 = arith.constant 0 : i32
      %dma_wait3A_144 = tpu.memref_slice %arg26[%mul3A_35, %dma_wait3A_143] : memref<1024x128xf32, #tpu.memory_space<vmem_shared>> -> memref<64x128xf32, #tpu.memory_space<vmem_shared>>
      tpu.wait_dma2 semaphore(%run_scoped3A : memref<!tpu.dma_semaphore, #tpu.memory_space<semaphore_mem>>) src(%dma_wait3A_144 : memref<64x128xf32, #tpu.memory_space<vmem_shared>>) dst(%dma_wait3A_142 : memref<64x128xf32, #tpu.memory_space<hbm>>)
      tpu.yield
    }) : () -> ()
    "tpu.region"() ({
      %run_scoped3A = tpu.sem_alloc : memref<!tpu.dma_semaphore, #tpu.memory_space<semaphore_mem>>
      %dma_start3A_135 = arith.constant 0 : i32
      %dma_start3A_136 = tpu.memref_slice %arg5[%arg0, %mul3A_35, %dma_start3A_135] : memref<2x1024x128xf32, #tpu.memory_space<hbm>> -> memref<1x64x128xf32, #tpu.memory_space<hbm>>
      %dma_start3A_137 = tpu.memref_squeeze %dma_start3A_136 : memref<1x64x128xf32, #tpu.memory_space<hbm>> -> memref<64x128xf32, #tpu.memory_space<hbm>>
      %dma_start3A_138 = arith.constant 0 : i32
      %dma_start3A_139 = tpu.memref_slice %arg27[%mul3A_35, %dma_start3A_138] : memref<1024x128xf32, #tpu.memory_space<vmem_shared>> -> memref<64x128xf32, #tpu.memory_space<vmem_shared>>
      tpu.enqueue_dma source(%dma_start3A_139 : memref<64x128xf32, #tpu.memory_space<vmem_shared>>) target(%dma_start3A_137 : memref<64x128xf32, #tpu.memory_space<hbm>>) target_semaphore(%run_scoped3A : memref<!tpu.dma_semaphore, #tpu.memory_space<semaphore_mem>>)
      %dma_wait3A_140 = arith.constant 0 : i32
      %dma_wait3A_141 = tpu.memref_slice %arg5[%arg0, %mul3A_35, %dma_wait3A_140] : memref<2x1024x128xf32, #tpu.memory_space<hbm>> -> memref<1x64x128xf32, #tpu.memory_space<hbm>>
      %dma_wait3A_142 = tpu.memref_squeeze %dma_wait3A_141 : memref<1x64x128xf32, #tpu.memory_space<hbm>> -> memref<64x128xf32, #tpu.memory_space<hbm>>
      %dma_wait3A_143 = arith.constant 0 : i32
      %dma_wait3A_144 = tpu.memref_slice %arg27[%mul3A_35, %dma_wait3A_143] : memref<1024x128xf32, #tpu.memory_space<vmem_shared>> -> memref<64x128xf32, #tpu.memory_space<vmem_shared>>
      tpu.wait_dma2 semaphore(%run_scoped3A : memref<!tpu.dma_semaphore, #tpu.memory_space<semaphore_mem>>) src(%dma_wait3A_144 : memref<64x128xf32, #tpu.memory_space<vmem_shared>>) dst(%dma_wait3A_142 : memref<64x128xf32, #tpu.memory_space<hbm>>)
      tpu.yield
    }) : () -> ()
    return
  }
}

module attributes {stable_mosaic.version = 14 : i64} {
  func.func @body(%arg0: memref<1000x128xf32, #tpu.memory_space<vmem>>, %arg1: memref<1000x1000xbf16, #tpu.memory_space<vmem>>, %arg2: memref<2x1024x128xf32, #tpu.memory_space<vmem>>, %arg3: memref<2x1024x128xf32, #tpu.memory_space<vmem>>, %arg4: memref<1x1xf32, #tpu.memory_space<smem>>) attributes {dimension_semantics = [], scalar_prefetch = 0 : i64, scratch_operands = 0 : i64, tpu.core_type = #tpu.core_type<tc>} {
    %get3A = arith.constant 0 : index
    %get3A_0 = arith.constant 0 : index
    %get3A_1 = vector.load %arg0[%get3A, %get3A_0] : memref<1000x128xf32, #tpu.memory_space<vmem>>, vector<1000x128xf32>
    %get3A_2 = arith.constant 0 : index
    %get3A_3 = arith.constant 0 : index
    %get3A_4 = arith.constant 0 : index
    %get3A_5 = vector.load %arg2[%get3A_2, %get3A_3, %get3A_4] : memref<2x1024x128xf32, #tpu.memory_space<vmem>>, vector<1x1024x128xf32>
    %get3A_6 = vector.shape_cast %get3A_5 : vector<1x1024x128xf32> to vector<1024x128xf32>
    %get3A_7 = arith.constant 1 : index
    %get3A_8 = arith.constant 0 : index
    %get3A_9 = arith.constant 0 : index
    %get3A_10 = vector.load %arg2[%get3A_7, %get3A_8, %get3A_9] : memref<2x1024x128xf32, #tpu.memory_space<vmem>>, vector<1x1024x128xf32>
    %get3A_11 = vector.shape_cast %get3A_10 : vector<1x1024x128xf32> to vector<1024x128xf32>
    %add3A = arith.addf %get3A_6, %get3A_11 : vector<1024x128xf32>
    %slice3A = vector.extract_strided_slice %add3A {offsets = [0, 0], sizes = [1000, 128], strides = [1, 1]} : vector<1024x128xf32> to vector<1000x128xf32>
    %get3A_12 = arith.constant 0 : index
    %get3A_13 = arith.constant 0 : index
    %get3A_14 = arith.constant 0 : index
    %get3A_15 = vector.load %arg3[%get3A_12, %get3A_13, %get3A_14] : memref<2x1024x128xf32, #tpu.memory_space<vmem>>, vector<1x1024x128xf32>
    %get3A_16 = vector.shape_cast %get3A_15 : vector<1x1024x128xf32> to vector<1024x128xf32>
    %get3A_17 = arith.constant 1 : index
    %get3A_18 = arith.constant 0 : index
    %get3A_19 = arith.constant 0 : index
    %get3A_20 = vector.load %arg3[%get3A_17, %get3A_18, %get3A_19] : memref<2x1024x128xf32, #tpu.memory_space<vmem>>, vector<1x1024x128xf32>
    %get3A_21 = vector.shape_cast %get3A_20 : vector<1x1024x128xf32> to vector<1024x128xf32>
    %add3A_22 = arith.addf %get3A_16, %get3A_21 : vector<1024x128xf32>
    %slice3A_23 = vector.extract_strided_slice %add3A_22 {offsets = [0, 0], sizes = [1000, 128], strides = [1, 1]} : vector<1024x128xf32> to vector<1000x128xf32>
    %slice3A_24 = vector.extract_strided_slice %slice3A_23 {offsets = [0, 0], sizes = [1000, 1], strides = [1, 1]} : vector<1000x128xf32> to vector<1000x1xf32>
    %reduce_sum3A = arith.constant dense<0.000000e+00> : vector<1000xf32>
    %reduce_sum3A_25 = vector.multi_reduction <add>, %slice3A_23, %reduce_sum3A [1] : vector<1000x128xf32> to vector<1000xf32>
    %broadcast_in_dim3A = vector.shape_cast %reduce_sum3A_25 : vector<1000xf32> to vector<1000x1xf32>
    %sub3A = arith.subf %broadcast_in_dim3A, %slice3A_24 : vector<1000x1xf32>
    %mul3A = arith.mulf %get3A_1, %slice3A : vector<1000x128xf32>
    %reduce_sum3A_26 = arith.constant dense<0.000000e+00> : vector<1000xf32>
    %reduce_sum3A_27 = vector.multi_reduction <add>, %mul3A, %reduce_sum3A_26 [1] : vector<1000x128xf32> to vector<1000xf32>
    %broadcast_in_dim3A_28 = vector.shape_cast %reduce_sum3A_27 : vector<1000xf32> to vector<1000x1xf32>
    %mul3A_29 = arith.mulf %get3A_1, %get3A_1 : vector<1000x128xf32>
    %reduce_sum3A_30 = arith.constant dense<0.000000e+00> : vector<1000xf32>
    %reduce_sum3A_31 = vector.multi_reduction <add>, %mul3A_29, %reduce_sum3A_30 [1] : vector<1000x128xf32> to vector<1000xf32>
    %broadcast_in_dim3A_32 = vector.shape_cast %reduce_sum3A_31 : vector<1000xf32> to vector<1000x1xf32>
    %gt3A = arith.constant 0.000000e+00 : f32
    %gt3A_33 = vector.broadcast %gt3A : f32 to vector<1000x1xf32>
    %gt3A_34 = arith.cmpf ogt, %slice3A_24, %gt3A_33 : vector<1000x1xf32>
    %convert_element_type3A = arith.extui %gt3A_34 : vector<1000x1xi1> to vector<1000x1xi32>
    %convert_element_type3A_35 = arith.sitofp %convert_element_type3A : vector<1000x1xi32> to vector<1000x1xf32>
    %reduce_sum3A_36 = vector.shape_cast %convert_element_type3A_35 : vector<1000x1xf32> to vector<1x1000x1xf32>
    %reduce_sum3A_37 = arith.constant dense<0.000000e+00> : vector<1xf32>
    %reduce_sum3A_38 = vector.multi_reduction <add>, %reduce_sum3A_36, %reduce_sum3A_37 [1, 2] : vector<1x1000x1xf32> to vector<1xf32>
    %reduce_sum3A_39 = vector.shape_cast %reduce_sum3A_38 : vector<1xf32> to vector<1x1x1xf32>
    %reduce_sum3A_40 = vector.extract %reduce_sum3A_39[0, 0, 0] : f32 from vector<1x1x1xf32>
    %jit3A = arith.constant 1.000000e+00 : f32
    %broadcast_in_dim3A_41 = vector.broadcast %jit3A : f32 to vector<1000x1xf32>
    %select_n3A = arith.select %gt3A_34, %slice3A_24, %broadcast_in_dim3A_41 : vector<1000x1xi1>, vector<1000x1xf32>
    %mul3A_42 = arith.constant 2.000000e+00 : f32
    %mul3A_43 = vector.broadcast %mul3A_42 : f32 to vector<1000x1xf32>
    %mul3A_44 = arith.mulf %mul3A_43, %broadcast_in_dim3A_28 : vector<1000x1xf32>
    %sub3A_45 = arith.subf %sub3A, %mul3A_44 : vector<1000x1xf32>
    %mul3A_46 = arith.mulf %slice3A_24, %broadcast_in_dim3A_32 : vector<1000x1xf32>
    %add3A_47 = arith.addf %sub3A_45, %mul3A_46 : vector<1000x1xf32>
    %div3A = arith.divf %add3A_47, %select_n3A : vector<1000x1xf32>
    %jit3A_48 = arith.constant 0.000000e+00 : f32
    %broadcast_in_dim3A_49 = vector.broadcast %jit3A_48 : f32 to vector<1000x1xf32>
    %select_n3A_50 = arith.select %gt3A_34, %div3A, %broadcast_in_dim3A_49 : vector<1000x1xi1>, vector<1000x1xf32>
    %reduce_sum3A_51 = vector.shape_cast %select_n3A_50 : vector<1000x1xf32> to vector<1x1000x1xf32>
    %reduce_sum3A_52 = arith.constant dense<0.000000e+00> : vector<1xf32>
    %reduce_sum3A_53 = vector.multi_reduction <add>, %reduce_sum3A_51, %reduce_sum3A_52 [1, 2] : vector<1x1000x1xf32> to vector<1xf32>
    %reduce_sum3A_54 = vector.shape_cast %reduce_sum3A_53 : vector<1xf32> to vector<1x1x1xf32>
    %reduce_sum3A_55 = vector.extract %reduce_sum3A_54[0, 0, 0] : f32 from vector<1x1x1xf32>
    %div3A_56 = arith.divf %reduce_sum3A_55, %reduce_sum3A_40 : f32
    %convert_element_type3A_57 = arith.extui %gt3A_34 : vector<1000x1xi1> to vector<1000x1xi32>
    %convert_element_type3A_58 = arith.sitofp %convert_element_type3A_57 : vector<1000x1xi32> to vector<1000x1xf32>
    %convert_element_type3A_59 = arith.truncf %convert_element_type3A_58 : vector<1000x1xf32> to vector<1000x1xbf16>
    %get3A_60 = arith.constant 0 : index
    %get3A_61 = arith.constant 0 : index
    %get3A_62 = vector.load %arg1[%get3A_60, %get3A_61] : memref<1000x1000xbf16, #tpu.memory_space<vmem>>, vector<1000x1000xbf16>
    %dot_general3A = arith.constant dense<0.000000e+00> : vector<1000x1xf32>
    %dot_general3A_63 = tpu.matmul %get3A_62, %convert_element_type3A_59, %dot_general3A {dimension_numbers = #tpu.dot_dimension_numbers<[1], [0], [0], [1], [0, 0, 1, 1], [], []>, transpose_lhs_hint = false} : vector<1000x1000xbf16>, vector<1000x1xbf16>, vector<1000x1xf32> -> vector<1000x1xf32>
    %mul3A_64 = arith.mulf %convert_element_type3A_58, %dot_general3A_63 : vector<1000x1xf32>
    %reduce_sum3A_65 = vector.shape_cast %mul3A_64 : vector<1000x1xf32> to vector<1x1000x1xf32>
    %reduce_sum3A_66 = arith.constant dense<0.000000e+00> : vector<1xf32>
    %reduce_sum3A_67 = vector.multi_reduction <add>, %reduce_sum3A_65, %reduce_sum3A_66 [1, 2] : vector<1x1000x1xf32> to vector<1xf32>
    %reduce_sum3A_68 = vector.shape_cast %reduce_sum3A_67 : vector<1xf32> to vector<1x1x1xf32>
    %reduce_sum3A_69 = vector.extract %reduce_sum3A_68[0, 0, 0] : f32 from vector<1x1x1xf32>
    %mul3A_70 = arith.constant 5.000000e-01 : f32
    %mul3A_71 = arith.mulf %mul3A_70, %reduce_sum3A_69 : f32
    %add3A_72 = arith.addf %div3A_56, %mul3A_71 : f32
    %swap3A = arith.constant 0 : index
    %swap3A_73 = arith.constant 0 : index
    %swap3A_74 = memref.load %arg4[%swap3A, %swap3A_73] : memref<1x1xf32, #tpu.memory_space<smem>>
    memref.store %add3A_72, %arg4[%swap3A, %swap3A_73] : memref<1x1xf32, #tpu.memory_space<smem>>
    return
  }
}

module attributes {stable_mosaic.version = 14 : i64} {
  func.func @body(%arg0: memref<1000x128xf32, #tpu.memory_space<vmem>>, %arg1: memref<1000x1000xbf16, #tpu.memory_space<vmem>>) attributes {dimension_semantics = [], scalar_prefetch = 0 : i64, scratch_operands = 0 : i64, tpu.core_type = #tpu.core_type<tc>} {
    %get3A = arith.constant 0 : index
    %get3A_0 = arith.constant 0 : index
    %get3A_1 = vector.load %arg0[%get3A, %get3A_0] : memref<1000x128xf32, #tpu.memory_space<vmem>>, vector<1000x128xf32>
    %mul3A = arith.mulf %get3A_1, %get3A_1 : vector<1000x128xf32>
    %reduce_sum3A = arith.constant dense<0.000000e+00> : vector<1000xf32>
    %reduce_sum3A_2 = vector.multi_reduction <add>, %mul3A, %reduce_sum3A [1] : vector<1000x128xf32> to vector<1000xf32>
    %broadcast_in_dim3A = vector.shape_cast %reduce_sum3A_2 : vector<1000xf32> to vector<1000x1xf32>
    %dot_general3A = arith.constant dense<0.000000e+00> : vector<1000x1000xf32>
    %dot_general3A_3 = tpu.matmul %get3A_1, %get3A_1, %dot_general3A {dimension_numbers = #tpu.dot_dimension_numbers<[1], [1], [0], [0], [0, 0, 1, 0], [], []>, precision = #tpu.contract_precision<fp32>, transpose_lhs_hint = false} : vector<1000x128xf32>, vector<1000x128xf32>, vector<1000x1000xf32> -> vector<1000x1000xf32>
    %iota3A = tpu.iota {dimensions = array<i32: 0>} : vector<1000x1000xi32>
    %iota3A_4 = tpu.iota {dimensions = array<i32: 1>} : vector<1000x1000xi32>
    %eq3A = arith.cmpi eq, %iota3A, %iota3A_4 : vector<1000x1000xi32>
    %broadcast_in_dim3A_5 = arith.constant 0.000000e+00 : f32
    %broadcast_in_dim3A_6 = vector.broadcast %broadcast_in_dim3A_5 : f32 to vector<1000x1000xf32>
    %add3A = vector.broadcast %broadcast_in_dim3A : vector<1000x1xf32> to vector<1000x1000xf32>
    %add3A_7 = arith.addf %add3A, %broadcast_in_dim3A_6 : vector<1000x1000xf32>
    %jit3A = arith.constant 0.000000e+00 : f32
    %broadcast_in_dim3A_8 = vector.broadcast %jit3A : f32 to vector<1000x1000xf32>
    %select_n3A = arith.select %eq3A, %add3A_7, %broadcast_in_dim3A_8 : vector<1000x1000xi1>, vector<1000x1000xf32>
    %reduce_sum3A_9 = arith.constant dense<0.000000e+00> : vector<1000xf32>
    %reduce_sum3A_10 = vector.multi_reduction <add>, %select_n3A, %reduce_sum3A_9 [0] : vector<1000x1000xf32> to vector<1000xf32>
    %broadcast_in_dim3A_11 = vector.shape_cast %reduce_sum3A_10 : vector<1000xf32> to vector<1x1000xf32>
    %add3A_12 = vector.broadcast %broadcast_in_dim3A : vector<1000x1xf32> to vector<1000x1000xf32>
    %add3A_13 = vector.broadcast %broadcast_in_dim3A_11 : vector<1x1000xf32> to vector<1000x1000xf32>
    %add3A_14 = arith.addf %add3A_12, %add3A_13 : vector<1000x1000xf32>
    %mul3A_15 = arith.constant 2.000000e+00 : f32
    %mul3A_16 = vector.broadcast %mul3A_15 : f32 to vector<1000x1000xf32>
    %mul3A_17 = arith.mulf %mul3A_16, %dot_general3A_3 : vector<1000x1000xf32>
    %sub3A = arith.subf %add3A_14, %mul3A_17 : vector<1000x1000xf32>
    %max3A = arith.constant 0.000000e+00 : f32
    %max3A_18 = vector.broadcast %max3A : f32 to vector<1000x1000xf32>
    %max3A_19 = arith.maximumf %sub3A, %max3A_18 : vector<1000x1000xf32>
    %gt3A = arith.constant 0.000000e+00 : f32
    %gt3A_20 = vector.broadcast %gt3A : f32 to vector<1000x1000xf32>
    %gt3A_21 = arith.cmpf ogt, %max3A_19, %gt3A_20 : vector<1000x1000xf32>
    %jit3A_22 = arith.constant 1.000000e+00 : f32
    %broadcast_in_dim3A_23 = vector.broadcast %jit3A_22 : f32 to vector<1000x1000xf32>
    %select_n3A_24 = arith.select %gt3A_21, %max3A_19, %broadcast_in_dim3A_23 : vector<1000x1000xi1>, vector<1000x1000xf32>
    %sqrt3A = math.sqrt %select_n3A_24 : vector<1000x1000xf32>
    %jit3A_25 = arith.constant 0.000000e+00 : f32
    %broadcast_in_dim3A_26 = vector.broadcast %jit3A_25 : f32 to vector<1000x1000xf32>
    %select_n3A_27 = arith.select %gt3A_21, %sqrt3A, %broadcast_in_dim3A_26 : vector<1000x1000xi1>, vector<1000x1000xf32>
    %sub3A_28 = arith.constant 2.500000e+00 : f32
    %sub3A_29 = vector.broadcast %sub3A_28 : f32 to vector<1000x1000xf32>
    %sub3A_30 = arith.subf %sub3A_29, %select_n3A_27 : vector<1000x1000xf32>
    %exp3A = math.exp %sub3A_30 : vector<1000x1000xf32>
    %sub3A_31 = arith.constant 1.000000e+00 : f32
    %sub3A_32 = vector.broadcast %sub3A_31 : f32 to vector<1000x1000xf32>
    %sub3A_33 = arith.subf %exp3A, %sub3A_32 : vector<1000x1000xf32>
    %max3A_34 = arith.constant 0.000000e+00 : f32
    %max3A_35 = vector.broadcast %max3A_34 : f32 to vector<1000x1000xf32>
    %max3A_36 = arith.maximumf %sub3A_33, %max3A_35 : vector<1000x1000xf32>
    %jit3A_37 = arith.constant 0.000000e+00 : f32
    %broadcast_in_dim3A_38 = vector.broadcast %jit3A_37 : f32 to vector<1000x1000xf32>
    %select_n3A_39 = arith.select %eq3A, %broadcast_in_dim3A_38, %max3A_36 : vector<1000x1000xi1>, vector<1000x1000xf32>
    %convert_element_type3A = arith.truncf %select_n3A_39 : vector<1000x1000xf32> to vector<1000x1000xbf16>
    %swap3A = arith.constant 0 : index
    %swap3A_40 = arith.constant 0 : index
    %swap3A_41 = vector.load %arg1[%swap3A, %swap3A_40] : memref<1000x1000xbf16, #tpu.memory_space<vmem>>, vector<1000x1000xbf16>
    tpu.vector_store %arg1[%swap3A, %swap3A_40], %convert_element_type3A {strides = array<i32>} : memref<1000x1000xbf16, #tpu.memory_space<vmem>>, vector<1000x1000xbf16>,
    return
  }
}

</mosaic_0001>

<sc_bundles>
// kernel: kernel.5.cloned.1.call-start
scs
__scs_entry_jumppad:
0x0: {  	(pc) =	sbr.rel $0x88, $3  }
0x1: {  	(tag) =	ssettag $0x0;
	lr =	simm.s32 $0x1  }
0x2: {  	[smem:$0x3F9E] =	sst lr;
	_ =	strace $0xD0000000  }
0x3: {  	_ = 	snop  }
0x4: {  	_ = 	snop  }
0x5: {  	_ = 	snop  }
0x6: {  	_ = 	snop  }
0x7: {  	_ = 	snop  }
__scs_overlays_trampoline_lowered:
0x8: {  	[smem:$0x3FAD] =	sst s0  }
0x9: {  	[smem:$0x3FAE] =	sst s1  }
0xa: {  	[smem:$0x3FAF] =	sst s2  }
0xb: {  	[smem:$0x3FB0] =	sst s3  }
0xc: {  	[smem:$0x3FB1] =	sst s4  }
0xd: {  	[smem:$0x3FB2] =	sst s5  }
0xe: {  	[smem:$0x3FB3] =	sst s6  }
0xf: {  	[smem:$0x3FB4] =	sst s7  }
0x10: {  	[smem:$0x3FB5] =	sst s8  }
0x11: {  	[smem:$0x3FB6] =	sst s9;
	s0 =	simm.s32 @!p0 $0x0  }
0x12: {  	s1 =	sld [smem:$0x3F9C];
	s0 =	simm.s32 @p0 $0x1  }
0x13: {  	[smem:$0x3FB7] =	sst s0;
	s0 =	simm.s32 @!p1 $0x0  }
0x14: {  	s2 =	sld [smem:$0x3F9B];
	s0 =	simm.s32 @p1 $0x1  }
0x15: {  	[smem:$0x3FB8] =	sst s0;
	s0 =	simm.s32 @!p2 $0x0  }
0x16: {  	s3 =	sld [smem:$0x3FDB];
	s0 =	simm.s32 @p2 $0x1  }
0x17: {  	s4 =	simm.s32 $0x1BF5;
	[smem:$0x3FBA] =	sst s0  }
0x18: {  	s0 =	sld [smem:$0x3F9D];
	_ =	swait.ge [sflag:s4], $0x0  }
0x19: {  	s7 =	sld [smem:$0x3F9E]  }
0x1a: {  	s8 =	sadd.s32 $0xFFFFE003, lr  }
0x1b: {  	s9 =	sadd.s32 $0xFFFFFEF7, lr;
	s5 =	simm.s32 $0xFFFFFFFF;
	p2 =	slt.u32 s8, $0xFFFFF086  }
0x1c: {  	p1 =	slt.u32 s9, $0xF7A;
	s5 =	simm.s32 @!p2 $0x0  }
0x1d: {  	s5 =	simm.s32 @p1 $0x1;
	p0 =	seq.s32 s7, s2  }
0x1e: {  	s7 =	smul.u32 @!p0 $0xF7A, s2;
	p2 =	seq.s32 @!p0 s5, $0x0  }
0x1f: {  	s9 =	smul.u32 $0xF7A, s1;
	s8 =	simm.s32 @!p0 $0x1BF5;
	p2 =	por !p2, p0  }
0x20: {  	[sflag:s8] =	ssyncset.s32 @!p0 $0xFFFFF086;
	s6 =	sadd.s32 @!p0 s3, s7;
	s7 =	simm.s32 @!p0 $0x108  }
0x21: {  	s3 =	sadd.s32 s3, s9;
	s6 =	sadd.s32 @!p0 $0x88, s6;
	s7 =	simm.s32 @p2 $0x1082  }
0x22: {  	[simem:s7], [sflag:s8] =	dma.local @!p0 [hbm:s6], $0xF7A  }
0x23: {  	s9 =	sor.u32 $0xD0000000, s2;
	s6 =	simm.s32 $0x108;
	_ =	swait.ge @!p0 [sflag:s8], $0x0  }
0x24: {  	s3 =	sadd.s32 $0x88, s3;
	s6 =	simm.s32 @!p1 $0x1082;
	[sflag:s4] =	ssyncset.s32 $0xFFFFF086  }
0x25: {  	[simem:s6], [sflag:s4] =	dma.local [hbm:s3], $0xF7A  }
0x26: {  	[smem:$0x3F9E] =	sst s1;
	(tag) =	ssettag s2;
	_ =	strace s9  }
0x27: {  	s1 =	sld [smem:$0x3FAE]  }
0x28: {  	s2 =	sld [smem:$0x3FAF]  }
0x29: {  	s4 =	sld [smem:$0x3FB1]  }
0x2a: {  	p0 =	seq.s32 s5, $0x0;
	s5 =	sld [smem:$0x3FB2]  }
0x2b: {  	s6 =	sld [smem:$0x3FB3]  }
0x2c: {  	s7 =	sld [smem:$0x3FB4]  }
0x2d: {  	s3 =	simm.s32 $0x108;
	s8 =	sld [smem:$0x3FB5]  }
0x2e: {  	s3 =	simm.s32 @!p0 $0x1082;
	s9 =	sld [smem:$0x3FB6]  }
0x2f: {  	lr =	sadd.s32 s0, s3;
	s0 =	sld [smem:$0x3FAD]  }
0x30: {  	s3 =	sld [smem:$0x3FB0]  }
0x31: {  	[smem:$0x3FB9] =	sst s10  }
0x32: {  	s10 =	sld [smem:$0x3FB7];
	_ =	sdelay $0x3  }
0x33: {  	p0 =	seq.s32 s10, $0x1;
	s10 =	sld [smem:$0x3FB9];
	_ =	sdelay $0x3  }
0x34: {  	[smem:$0x3FB9] =	sst s10  }
0x35: {  	s10 =	sld [smem:$0x3FB8];
	_ =	sdelay $0x3  }
0x36: {  	p1 =	seq.s32 s10, $0x1;
	s10 =	sld [smem:$0x3FB9];
	_ =	sdelay $0x3  }
0x37: {  	[smem:$0x3FB9] =	sst s10  }
0x38: {  	s10 =	sld [smem:$0x3FBA]  }
0x39: {  	_ = 	snop;
	(pc) =	sbr.ind lr, $3  }
0x3a: {  	_ = 	snop  }
0x3b: {  	_ = 	snop  }
0x3c: {  	p2 =	seq.s32 s10, $0x1;
	s10 =	sld [smem:$0x3FB9]  }
0x3d: {  	_ =	shalt  }
0x3e: {  	_ =	shalt  }
0x3f: {  	_ =	shalt  }
0x40: {  	_ =	shalt  }
0x41: {  	_ =	shalt  }
0x42: {  	_ =	shalt  }
0x43: {  	_ =	shalt  }
0x44: {  	_ =	shalt  }
0x45: {  	_ =	shalt  }
0x46: {  	_ =	shalt  }
0x47: {  	_ =	shalt  }
0x48: {  	_ =	shalt  }
0x49: {  	_ =	shalt  }
0x4a: {  	_ =	shalt  }
0x4b: {  	_ =	shalt  }
0x4c: {  	_ =	shalt  }
0x4d: {  	_ =	shalt  }
0x4e: {  	_ =	shalt  }
0x4f: {  	_ =	shalt  }
0x50: {  	_ =	shalt  }
0x51: {  	_ =	shalt  }
0x52: {  	_ =	shalt  }
0x53: {  	_ =	shalt  }
0x54: {  	_ =	shalt  }
0x55: {  	_ =	shalt  }
0x56: {  	_ =	shalt  }
0x57: {  	_ =	shalt  }
0x58: {  	_ =	shalt  }
0x59: {  	_ =	shalt  }
0x5a: {  	_ =	shalt  }
0x5b: {  	_ =	shalt  }
0x5c: {  	_ =	shalt  }
0x5d: {  	_ =	shalt  }
0x5e: {  	_ =	shalt  }
0x5f: {  	_ =	shalt  }
0x60: {  	_ =	shalt  }
0x61: {  	_ =	shalt  }
0x62: {  	_ =	shalt  }
0x63: {  	_ =	shalt  }
0x64: {  	_ =	shalt  }
0x65: {  	_ =	shalt  }
0x66: {  	_ =	shalt  }
0x67: {  	_ =	shalt  }
0x68: {  	_ =	shalt  }
0x69: {  	_ =	shalt  }
0x6a: {  	_ =	shalt  }
0x6b: {  	_ =	shalt  }
0x6c: {  	_ =	shalt  }
0x6d: {  	_ =	shalt  }
0x6e: {  	_ =	shalt  }
0x6f: {  	_ =	shalt  }
0x70: {  	_ =	shalt  }
0x71: {  	_ =	shalt  }
0x72: {  	_ =	shalt  }
0x73: {  	_ =	shalt  }
0x74: {  	_ =	shalt  }
0x75: {  	_ =	shalt  }
0x76: {  	_ =	shalt  }
0x77: {  	_ =	shalt  }
0x78: {  	_ =	shalt  }
0x79: {  	_ =	shalt  }
0x7a: {  	_ =	shalt  }
0x7b: {  	_ =	shalt  }
0x7c: {  	_ =	shalt  }
0x7d: {  	_ =	shalt  }
0x7e: {  	_ =	shalt  }
0x7f: {  	_ =	shalt  }
0x80: {  	_ =	shalt  }
0x81: {  	_ =	shalt  }
0x82: {  	_ =	shalt  }
0x83: {  	_ =	shalt  }
0x84: {  	_ =	shalt  }
0x85: {  	_ =	shalt  }
0x86: {  	_ =	shalt  }
0x87: {  	_ =	shalt  }
.Lfunc_end0:
.L_simem_size_0:
called_computation_lowered:
.L_overlay_start_0:
0x88: {  	s2 =	sld [smem:$0x3FD9]  }
0x89: {  	s3 =	sld [smem:$0x3FFE];
	_ =	sdelay $0x1  }
0x8a: {  	s1 =	srdreg.scid  }
0x8b: {  	s0 =	sand.u32 $0x1, s1  }
0x8c: {  	s17 =	sshll.u32 s0, $0xA;
	s2 =	sadd.s32 s3, s2  }
0x8d: {  	s2 =	sadd.s32 s2, s17  }
0x8e: {  	[smem:$0x3FC5] =	sst s2  }
0x8f: {  	_ = 	snop  }
0x90: {  	s2 =	sld [smem:$0x3FC9]  }
0x91: {  	s18 =	sld [smem:$0x3FC8];
	(tm) =	ssettm $0x1  }
0x92: {  	s4 =	sld [smem:$0x3FFB];
	_ =	sdelay $0x3  }
0x93: {  	_ =	strace s4  }
0x94: {  	s4 =	sld [smem:$0x3FFC];
	_ =	sdelay $0x3  }
0x95: {  	_ =	strace s4  }
0x96: {  	s4 =	sld [smem:$0x3FFD];
	_ =	sdelay $0x3  }
0x97: {  	_ =	strace s4  }
0x98: {  	_ =	strace $0x8FFFFFFF  }
0x99: {  	s19 =	sld [smem:$0x3FDB];
	_ =	sdelay $0x1  }
0x9a: {  	s5 =	simm.s32 $_scs_section_size  }
0x9b: {  	s6 =	simm.s32 $_size__tile_overlayer_lowered;
	s7 =	simm.s32 $_tile_overlayer_lowered  }
0x9c: {  	s22 =	simm.s32 $0x1BFF;
	s21 =	sshll.u32 s7, $0x1;
	s4 =	sadd.s32 s5, s19  }
0x9d: {  	s8 =	simm.s32 $0x0;
	s20 =	sshll.u32 s6, $0x1;
	s6 =	sadd.s32 s21, s4  }
0x9e: {  	[timem:s8], [sflag:s22] =	dma.local [hbm:s6], s20  }
0x9f: {  	_ =	swait.ge [sflag:s22], s20  }
0xa0: {  	s5 =	ssub.s32 $0x0, s20;
	[sflag:s22] =	ssyncset.done $0x0  }
0xa1: {  	[sflag:s22] =	ssyncadd.s32 s5;
	_ =	sdelay $0x1  }
0xa2: {  	s23 =	simm.s32 $0x1B8B  }
0xa3: {  	_ =	swait.ge [sflag:s23], $0x1  }
0xa4: {  	[sflag:s23] =	ssyncset.done $0x0  }
0xa5: {  	s25 =	simm.s32 $0x1B8E;
	s24 =	sld [smem:$0x3FFE];
	[sflag:s23] =	ssyncadd.s32 $0xFFFFFFFF  }
0xa6: {  	s26 =	simm.s32 $execute0_lowered;
	[smem:$0x3FD2] =	sst s25  }
0xa7: {  	s6 =	sshll.u32 s26, $0x1;
	_ =	strace $0x80000046;
	[dreg:$0x1] =	wrdreg $0xFFFFFFFF  }
0xa8: {  	s28 =	simm.s32 $_size_execute0_lowered;
	s4 =	sadd.s32 s4, s6;
	[dreg:$0x0] =	wrdreg $0x0  }
0xa9: {  	s6 =	sshll.u32 s28, $0x1;
	[dreg:$0x2] =	wrdreg s4  }
0xaa: {  	[dreg:$0x3] =	wrdreg s6  }
0xab: {  	[dreg:$0x4] =	wrdreg $0xC0  }
0xac: {  	_ =	task [dreg:s8], $0x5FFFF  }
0xad: {  	[dreg:$0x1] =	wrdreg $0xFFFFFFFF  }
0xae: {  	[dreg:$0x0] =	wrdreg $0x60  }
0xaf: {  	[dreg:$0x2] =	wrdreg s2  }
0xb0: {  	[dreg:$0x3] =	wrdreg s18  }
0xb1: {  	[dreg:$0x4] =	wrdreg s24  }
0xb2: {  	[dreg:$0x5] =	wrdreg $0x1A2000  }
0xb3: {  	[dreg:$0x6] =	wrdreg $0x1C2000  }
0xb4: {  	[dreg:$0x7] =	wrdreg $0x9  }
0xb5: {  	_ =	task.clear_ibuf [dreg:s8], $0x8FFFF;
	_ =	strace $0x90000046  }
0xb6: {  	s29 =	simm.s32 $0x9;
	_ =	strace $0x80000048  }
0xb7: {  	_ =	swait.ge [sflag:s29], $0x1  }
0xb8: {  	[sflag:s29] =	ssyncadd.s32 $0xFFFFFFFF  }
0xb9: {  	_ =	strace $0x90000048  }
0xba: {  	_ =	sfence  }
0xbb: {  	s30 =	sld [smem:$0x0];
	_ =	sdelay $0x2  }
0xbc: {  	s31 =	sshll.u32 s1, $0xD;
	s1 =	sshrl.u32 s1, $0x2  }
0xbd: {  	s3 =	sand.u32 $0x4000, s31;
	s1 =	sadd.s32 s1, s30  }
0xbe: {  	s0 =	sor.u32 s3, s0;
	s1 =	sshll.u32 s1, $0x11  }
0xbf: {  	s0 =	sor.u32 s1, s0  }
0xc0: {  	s0 =	sadd.s32 $0x8F2B, s0  }
0xc1: {  	[sflag:s0] =	ssyncadd.remote.s32 $0x1  }
0xc2: {  	_ =	sfence.sel $0xFFFF  }
0xc3: {  	[dreg:$0x0] =	wrdreg $0xFFFFFFFF;
	(pc) =	sbr.abs _section_cstart, $3  }
0xc4: {  	[dreg:$0x1] =	wrdreg $0xFFFFFFFF  }
0xc5: {  	_ =	task.clear_ibuf [dreg:s8], $0x2FFFF;
	_ =	strace $0x9FFFFFFF  }
0xc6: {  	(tm) =	ssettm $0x7FFFFFFF  }
0xc7: {  	_ =	shalt  }
tec
execute0_lowered:
.L_overlay_start_1:
0x0: {  	(tag) =	ssettag $0x1  }
0x1: {  	s0 =	rddreg [dreg:$0x0]  }
0x2: {  	s2 =	rddreg [dreg:$0x1]  }
0x3: {  	s5 =	rddreg [dreg:$0x2]  }
0x4: {  	s1 =	rddreg [dreg:$0x3]  }
0x5: {  	s3 =	rddreg [dreg:$0x4]  }
0x6: {  	s6 =	srdreg.scid;
	s4 =	simm.s32 $0x0;
	s10 =	stileid.u32  }
0x7: {  	s28 =	simm.s32 $0x80;
	s29 =	simm.s32 $0xE000;
	s30 =	simm.s32 $0x4  }
0x8: {  	s31 =	simm.s32 $0x7;
	s6 =	sand.u32 $0x1, s6;
	[smem:$0x7FF] =	sst s4  }
0x9: {  	s7 =	sshll.u32 s10, $0xD;
	s10 =	sshll.u32 s10, $0x9;
	s8 =	sshll.u32 s6, $0x11  }
0xa: {  	_ =	strace $0x80000047;
	s9 =	ssub.s32 $0x2, s6;
	s6 =	sshll.u32 s6, $0xD  }
0xb: {  	s8 =	sor.u32 s7, s8;
	s11 =	sshrl.u32 s9, $0x1;
	s6 =	sor.u32 s10, s6  }
0xc: {  	s8 =	sshrl.u32 s8, $0x3;
	s14 =	ssub.s32 s9, s11;
	s17 =	sshrl.u32 s6, $0x3  }
0xd: {  	s18 =	sor.u32 $0x80, s6;
	s10 =	sor.u32 $0x100, s6;
	s13 =	sor.u32 $0x180, s6  }
0xe: {  	s22 =	sshll.u32 s6, $0x4;
	s6 =	simm.s32 $0x8;
	s5 =	sadd.s32 s8, s5  }
0xf: {  	s9 =	sadd.s32 s2, s17;
	s19 =	sshrl.u32 s18, $0x3;
	s12 =	sshrl.u32 s10, $0x3  }
0x10: {  	s21 =	sshrl.u32 s13, $0x3;
	s23 =	sshll.u32 s18, $0x4;
	s25 =	sshll.u32 s10, $0x4  }
0x11: {  	s26 =	sshll.u32 s13, $0x4;
	s13 =	sadd.s32 s7, s3;
	s17 =	simm.s32 $0x1A000  }
0x12: {  	s18 =	simm.s32 $0xA;
	s8 =	simm.s32 $0x9;
	[dreg:$0x6] =	wrdreg s9  }
0x13: {  	s11 =	sadd.s32 s2, s19;
	s20 =	sadd.s32 s2, s12;
	s2 =	sadd.s32 s2, s21  }
0x14: {  	s24 =	sadd.s32 s0, s23;
	s12 =	sadd.s32 s7, s1;
	s15 =	sadd.s32 $0xE00, s5  }
0x15: {  	s16 =	sadd.s32 $0x8E00, s5;
	s19 =	simm.s32 $0x1A080;
	[dreg:$0x7] =	wrdreg s11  }
0x16: {  	s21 =	simm.s32 $0x1A180;
	s23 =	simm.s32 $0x2000;
	[dreg:$0x8] =	wrdreg s20  }
0x17: {  	v0 =	vimm.s32 $0xEDCBA987;
	v1 =	vimm.s32 $0x6543210F;
	s5 =	simm.s32 $0x5;
	s7 =	simm.s32 $0x6;
	[dreg:$0x9] =	wrdreg s2  }
0x18: {  	v0 =	vunpack.c.l.s4.s8 v0;
	v1 =	vunpack.c.l.s4.s8 v1;
	s9 =	simm.s32 $0x0;
	s2 =	sadd.s32 s0, s22;
	[dreg:$0xb] =	wrdreg s24  }
0x19: {  	s20 =	simm.s32 $0x1A100;
	s22 =	smax.u32 s14, $0x1;
	s24 =	simm.s32 $0x6000  }
0x1a: {  	v2 =	vunpack.c.0.s8.s32 v0;
	v1 =	vunpack.c.0.s8.s32 v1;
	[dreg:$0xa] =	wrdreg s2;
	s2 =	sadd.s32 s0, s25;
	s0 =	sadd.s32 s0, s26  }
0x1b: {  	vm0 =	vcmask $0x3F08;
	s25 =	simm.s32 $0xA000;
	s26 =	simm.s32 $0x1;
	[dreg:$0xc] =	wrdreg s2  }
0x1c: {  	v0 =	vimm.f32 $0.0e+00;
	v1 =	vcombine.low v1, v2;
	v2 =	vlaneseq.u32;
	[dreg:$0xd] =	wrdreg s0;
	s0 =	simm.s32 $0x2;
	s2 =	simm.s32 $0x3  }
.LBB2_1:
0x1d: {  	s10 =	rddreg [dreg:$0x6]  }
0x1e: {  	[tilespmem:s17], [sflag:$0xA] =	stream.linear.gather [hbm4b:s10+s4], $0x80, $0x38;
	[tilespmem:$0x1E200] =	vst v63  }
0x1f: {  	_ =	swait.ge [sflag:s18], $0x80  }
0x20: {  	[sflag:s18] =	ssyncset.done $0x0  }
0x21: {  	s11 =	rddreg [dreg:$0x7];
	[sflag:s18] =	ssyncadd.s32 $0xFFFFFF80  }
0x22: {  	[tilespmem:s19], [sflag:$0xA] =	stream.linear.gather [hbm4b:s11+s4], $0x80, $0x38;
	[tilespmem:$0x1E200] =	vst v63  }
0x23: {  	_ =	swait.ge [sflag:s18], $0x80  }
0x24: {  	[sflag:s18] =	ssyncset.done $0x0  }
0x25: {  	s14 =	rddreg [dreg:$0x8];
	[sflag:s18] =	ssyncadd.s32 $0xFFFFFF80  }
0x26: {  	[tilespmem:s20], [sflag:$0xA] =	stream.linear.gather [hbm4b:s14+s4], $0x80, $0x38;
	[tilespmem:$0x1E200] =	vst v63  }
0x27: {  	_ =	swait.ge [sflag:s18], $0x80  }
0x28: {  	[sflag:s18] =	ssyncset.done $0x0  }
0x29: {  	s11 =	rddreg [dreg:$0x9];
	[sflag:s18] =	ssyncadd.s32 $0xFFFFFF80  }
0x2a: {  	[tilespmem:s21], [sflag:$0xA] =	stream.linear.gather [hbm4b:s11+s4], $0x80, $0x38;
	[tilespmem:$0x1E200] =	vst v63  }
0x2b: {  	_ =	swait.ge [sflag:s18], $0x80  }
0x2c: {  	[sflag:s18] =	ssyncset.done $0x0  }
0x2d: {  	s14 =	rddreg [dreg:$0xa];
	[sflag:s18] =	ssyncadd.s32 $0xFFFFFF80  }
0x2e: {  	[tilespmem:s23], [sflag:$0x1] =	stream.linear.gather [hbm4b:s14+s4], $0x4000, $0x38;
	[tilespmem:$0x1E200] =	vst v63  }
0x2f: {  	s11 =	rddreg [dreg:$0xb]  }
0x30: {  	[tilespmem:s24], [sflag:$0x2] =	stream.linear.gather [hbm4b:s11+s4], $0x4000, $0x38;
	[tilespmem:$0x1E200] =	vst v63  }
0x31: {  	s10 =	simm.s32 $0x0;
	s14 =	rddreg [dreg:$0xc];
	s11 =	simm.s32 $0x200  }
0x32: {  	[tilespmem:s25], [sflag:$0x3] =	stream.linear.gather [hbm4b:s14+s4], $0x4000, $0x38;
	[tilespmem:$0x1E200] =	vst v63  }
.LBB2_2:
0x33: {  	p0 =	sne.s32 s11, $0x7E00;
	[tilespmem:s10+$0x70] =	vst v0  }
0x34: {  	[tilespmem:s10+$0x0] =	vst v0  }
0x35: {  	[tilespmem:s10+$0x10] =	vst v0  }
.Ltmp0:
0x36: {  	[tilespmem:s10+$0x20] =	vst v0;
	(pc) =	sbr.rel @p0 .LBB2_2-.Ltmp0, $4  }
0x37: {  	[tilespmem:s10+$0x30] =	vst v0  }
0x38: {  	[tilespmem:s10+$0x40] =	vst v0  }
0x39: {  	[tilespmem:s10+$0x50] =	vst v0  }
0x3a: {  	[tilespmem:s10+$0x60] =	vst v0;
	s10 =	sshra.s32 s11, $0x2;
	s11 =	sadd.s32 $0x200, s11  }
0x3b: {  	[tilespmem:s10+$0x70] =	vst v0  }
0x3c: {  	[tilespmem:s10+$0x0] =	vst v0  }
0x3d: {  	[tilespmem:s10+$0x10] =	vst v0  }
0x3e: {  	[tilespmem:s10+$0x20] =	vst v0  }
0x3f: {  	[tilespmem:s10+$0x30] =	vst v0  }
0x40: {  	[tilespmem:s10+$0x40] =	vst v0  }
0x41: {  	[tilespmem:s10+$0x50] =	vst v0  }
0x42: {  	[tilespmem:s10+$0x60] =	vst v0;
	s14 =	simm.s32 $0x0  }
0x43: {  	[spmem:s12] =	stream.linear.scatter [tilespmem:s14], [sflag:$0xA], $0x2000, $0x38;
	[tilespmem:$0x1E200] =	vst v63  }
0x44: {  	_ =	swait.ge [sflag:s18], $0x2000  }
0x45: {  	[sflag:s18] =	ssyncset.done $0x0  }
0x46: {  	[sflag:s18] =	ssyncadd.s32 $0xFFFFE000  }
0x47: {  	[spmem:s13] =	stream.linear.scatter [tilespmem:s14], [sflag:$0xA], $0x2000, $0x38;
	[tilespmem:$0x1E200] =	vst v63  }
0x48: {  	_ =	swait.ge [sflag:s18], $0x2000  }
0x49: {  	[sflag:s18] =	ssyncset.done $0x0  }
0x4a: {  	[sflag:s18] =	ssyncadd.s32 $0xFFFFE000  }
0x4b: {  	[bflag:$0x0] =	sbarrier.arrive $0xFFFF  }
0x4c: {  	_ =	swait.ge [sflag:s26], $0x4000  }
0x4d: {  	[sflag:s26] =	ssyncset.done $0x0  }
0x4e: {  	s11 =	simm.s32 $0x0;
	[sflag:s26] =	ssyncadd.s32 $0xFFFFC000  }
0x4f: {  	[spmem:s1] =	stream.indirect.scatter.add.f32 [tilespmem:s23], [sflag:$0x4], $0x80, s17, s28, $0xb8;
	[tilespmem:$0x1E200] =	vst v63  }
0x50: {  	v3 =	vld [tilespmem:s11+$0x2000]  }
0x51: {  	v4 =	vld [tilespmem:s11+$0x2010]  }
0x52: {  	v5 =	vld [tilespmem:s11+$0x2020]  }
0x53: {  	v8 =	vld [tilespmem:s11+$0x2030]  }
0x54: {  	v6 =	vld [tilespmem:s11+$0x2040]  }
0x55: {  	v7 =	vld [tilespmem:s11+$0x2050];
	v3 =	vmul.f32 v3, v3  }
0x56: {  	v10 =	vmul.f32 v4, v4;
	v4 =	vld [tilespmem:s11+$0x2060]  }
0x57: {  	s10 =	simm.s32 $0x80;
	s14 =	simm.s32 $0x400;
	v11 =	vmul.f32 v5, v5;
	v5 =	vld [tilespmem:s11+$0x2070];
	v9 =	vperm.xlane v3, v1  }
.LBB2_4:
0x58: {  	p0 =	sne.s32 s14, $0xFE00;
	v12 =	vld [tilespmem:s10+$0x2000];
	[tilespmem:s11+$0xE010] =	vst v10;
	v8 =	vmul.f32 v8, v8  }
0x59: {  	v10 =	vld [tilespmem:s10+$0x2010];
	v9 =	vadd.f32 v9, v3;
	[tilespmem:s11+$0xE020] =	vst v11;
	v6 =	vmul.f32 v6, v6  }
0x5a: {  	v11 =	vld [tilespmem:s10+$0x2020];
	[tilespmem:s11+$0xE030] =	vst v8;
	v7 =	vmul.f32 v7, v7  }
.Ltmp1:
0x5b: {  	vm1 =	veq.s32 v2, $0x0;
	v8 =	vld [tilespmem:s10+$0x2030];
	v3 =	vsel vm0, v3, v9;
	[tilespmem:s11+$0xE040] =	vst v6;
	v9 =	vmul.f32 v4, v4;
	(pc) =	sbr.rel @p0 .LBB2_4-.Ltmp1, $4  }
0x5c: {  	v6 =	vld [tilespmem:s10+$0x2040];
	v4 =	vsel vm1, $0x3F800000, v3;
	[tilespmem:s11+$0xE050] =	vst v7;
	v13 =	vmul.f32 v5, v5  }
0x5d: {  	v3 =	vmul.f32 v12, v12;
	v7 =	vld [tilespmem:s10+$0x2050];
	[tilespmem:s11+$0xE000] =	vst v4  }
0x5e: {  	v10 =	vmul.f32 v10, v10;
	v4 =	vld [tilespmem:s10+$0x2060];
	[tilespmem:s11+$0xE060] =	vst v9  }
0x5f: {  	v9 =	vperm.xlane v3, v1;
	v11 =	vmul.f32 v11, v11;
	v5 =	vld [tilespmem:s10+$0x2070];
	[tilespmem:s11+$0xE070] =	vst v13;
	s11 =	smov.u32 s10;
	s10 =	sshra.s32 s14, $0x2;
	s14 =	sadd.s32 $0x200, s14  }
0x60: {  	v12 =	vld [tilespmem:s10+$0x2000];
	[tilespmem:s11+$0xE010] =	vst v10;
	v8 =	vmul.f32 v8, v8  }
0x61: {  	v10 =	vld [tilespmem:s10+$0x2010];
	[tilespmem:s11+$0xE020] =	vst v11;
	v6 =	vmul.f32 v6, v6;
	v9 =	vadd.f32 v9, v3  }
0x62: {  	v11 =	vld [tilespmem:s10+$0x2020];
	[tilespmem:s11+$0xE030] =	vst v8;
	v7 =	vmul.f32 v7, v7  }
0x63: {  	v8 =	vld [tilespmem:s10+$0x2030];
	[tilespmem:s11+$0xE040] =	vst v6;
	v3 =	vsel vm0, v3, v9  }
0x64: {  	v4 =	vmul.f32 v4, v4;
	v6 =	vld [tilespmem:s10+$0x2040];
	[tilespmem:s11+$0xE050] =	vst v7;
	v3 =	vsel vm1, $0x3F800000, v3  }
0x65: {  	v5 =	vmul.f32 v5, v5;
	v7 =	vld [tilespmem:s10+$0x2050];
	[tilespmem:s11+$0xE000] =	vst v3;
	v9 =	vmul.f32 v12, v12  }
0x66: {  	v3 =	vld [tilespmem:s10+$0x2060];
	[tilespmem:s11+$0xE060] =	vst v4;
	v4 =	vmul.f32 v10, v10  }
0x67: {  	v10 =	vld [tilespmem:s10+$0x2070];
	v12 =	vperm.xlane v9, v1;
	v11 =	vmul.f32 v11, v11;
	[tilespmem:s11+$0xE070] =	vst v5  }
0x68: {  	[tilespmem:s10+$0xE010] =	vst v4;
	v4 =	vmul.f32 v8, v8  }
0x69: {  	v5 =	vadd.f32 v12, v9;
	[tilespmem:s10+$0xE020] =	vst v11;
	v6 =	vmul.f32 v6, v6  }
0x6a: {  	[tilespmem:s10+$0xE030] =	vst v4;
	v4 =	vmul.f32 v7, v7  }
0x6b: {  	v5 =	vsel vm0, v9, v5;
	[tilespmem:s10+$0xE040] =	vst v6  }
0x6c: {  	v3 =	vmul.f32 v3, v3;
	v5 =	vsel vm1, $0x3F800000, v5;
	[tilespmem:s10+$0xE050] =	vst v4  }
0x6d: {  	v4 =	vmul.f32 v10, v10;
	[tilespmem:s10+$0xE000] =	vst v5  }
0x6e: {  	[tilespmem:s10+$0xE060] =	vst v3  }
0x6f: {  	[tilespmem:s10+$0xE070] =	vst v4  }
0x70: {  	[spmem:s3] =	stream.indirect.scatter.add.f32 [tilespmem:s29], [sflag:$0x7], $0x80, s17, s28, $0xb8;
	[tilespmem:$0x1E200] =	vst v63  }
0x71: {  	_ =	swait.ge [sflag:s30], $0x4000  }
0x72: {  	[sflag:s30] =	ssyncset.done $0x0  }
0x73: {  	[sflag:s30] =	ssyncadd.s32 $0xFFFFC000  }
0x74: {  	_ =	swait.ge [sflag:s31], $0x4000  }
0x75: {  	[sflag:s31] =	ssyncset.done $0x0  }
0x76: {  	s11 =	simm.s32 $0x0;
	s14 =	rddreg [dreg:$0xd];
	[sflag:s31] =	ssyncadd.s32 $0xFFFFC000  }
0x77: {  	[tilespmem:s23], [sflag:$0x1] =	stream.linear.gather [hbm4b:s14+s11], $0x4000, $0x38;
	[tilespmem:$0x1E200] =	vst v63  }
0x78: {  	_ =	swait.ge [sflag:s0], $0x4000  }
0x79: {  	[sflag:s0] =	ssyncset.done $0x0  }
0x7a: {  	s11 =	simm.s32 $0x0;
	[sflag:s0] =	ssyncadd.s32 $0xFFFFC000  }
0x7b: {  	[spmem:s1] =	stream.indirect.scatter.add.f32 [tilespmem:s24], [sflag:$0x5], $0x80, s19, s28, $0xb8;
	[tilespmem:$0x1E200] =	vst v63  }
0x7c: {  	v3 =	vld [tilespmem:s11+$0x6000]  }
0x7d: {  	v4 =	vld [tilespmem:s11+$0x6010]  }
0x7e: {  	v5 =	vld [tilespmem:s11+$0x6020]  }
0x7f: {  	v8 =	vld [tilespmem:s11+$0x6030]  }
0x80: {  	v6 =	vld [tilespmem:s11+$0x6040]  }
0x81: {  	v7 =	vld [tilespmem:s11+$0x6050];
	v3 =	vmul.f32 v3, v3  }
0x82: {  	v10 =	vmul.f32 v4, v4;
	v4 =	vld [tilespmem:s11+$0x6060]  }
0x83: {  	s10 =	simm.s32 $0x80;
	s14 =	simm.s32 $0x400;
	v11 =	vmul.f32 v5, v5;
	v5 =	vld [tilespmem:s11+$0x6070];
	v9 =	vperm.xlane v3, v1  }
.LBB2_6:
0x84: {  	p0 =	sne.s32 s14, $0xFE00;
	v12 =	vld [tilespmem:s10+$0x6000];
	[tilespmem:s11+$0x12010] =	vst v10;
	v8 =	vmul.f32 v8, v8  }
0x85: {  	v10 =	vld [tilespmem:s10+$0x6010];
	v9 =	vadd.f32 v9, v3;
	[tilespmem:s11+$0x12020] =	vst v11;
	v6 =	vmul.f32 v6, v6  }
0x86: {  	v11 =	vld [tilespmem:s10+$0x6020];
	[tilespmem:s11+$0x12030] =	vst v8;
	v7 =	vmul.f32 v7, v7  }
.Ltmp2:
0x87: {  	vm1 =	veq.s32 v2, $0x0;
	v8 =	vld [tilespmem:s10+$0x6030];
	v3 =	vsel vm0, v3, v9;
	[tilespmem:s11+$0x12040] =	vst v6;
	v9 =	vmul.f32 v4, v4;
	(pc) =	sbr.rel @p0 .LBB2_6-.Ltmp2, $4  }
0x88: {  	v6 =	vld [tilespmem:s10+$0x6040];
	v4 =	vsel vm1, $0x3F800000, v3;
	[tilespmem:s11+$0x12050] =	vst v7;
	v13 =	vmul.f32 v5, v5  }
0x89: {  	v3 =	vmul.f32 v12, v12;
	v7 =	vld [tilespmem:s10+$0x6050];
	[tilespmem:s11+$0x12000] =	vst v4  }
0x8a: {  	v10 =	vmul.f32 v10, v10;
	v4 =	vld [tilespmem:s10+$0x6060];
	[tilespmem:s11+$0x12060] =	vst v9  }
0x8b: {  	v9 =	vperm.xlane v3, v1;
	v11 =	vmul.f32 v11, v11;
	v5 =	vld [tilespmem:s10+$0x6070];
	[tilespmem:s11+$0x12070] =	vst v13;
	s11 =	smov.u32 s10;
	s10 =	sshra.s32 s14, $0x2;
	s14 =	sadd.s32 $0x200, s14  }
0x8c: {  	v12 =	vld [tilespmem:s10+$0x6000];
	[tilespmem:s11+$0x12010] =	vst v10;
	v8 =	vmul.f32 v8, v8  }
0x8d: {  	v10 =	vld [tilespmem:s10+$0x6010];
	[tilespmem:s11+$0x12020] =	vst v11;
	v6 =	vmul.f32 v6, v6;
	v9 =	vadd.f32 v9, v3  }
0x8e: {  	v11 =	vld [tilespmem:s10+$0x6020];
	[tilespmem:s11+$0x12030] =	vst v8;
	v7 =	vmul.f32 v7, v7  }
0x8f: {  	v8 =	vld [tilespmem:s10+$0x6030];
	[tilespmem:s11+$0x12040] =	vst v6;
	v3 =	vsel vm0, v3, v9  }
0x90: {  	v4 =	vmul.f32 v4, v4;
	v6 =	vld [tilespmem:s10+$0x6040];
	[tilespmem:s11+$0x12050] =	vst v7;
	v3 =	vsel vm1, $0x3F800000, v3  }
0x91: {  	v5 =	vmul.f32 v5, v5;
	v7 =	vld [tilespmem:s10+$0x6050];
	[tilespmem:s11+$0x12000] =	vst v3;
	v9 =	vmul.f32 v12, v12  }
0x92: {  	v3 =	vld [tilespmem:s10+$0x6060];
	[tilespmem:s11+$0x12060] =	vst v4;
	v4 =	vmul.f32 v10, v10  }
0x93: {  	v10 =	vld [tilespmem:s10+$0x6070];
	v12 =	vperm.xlane v9, v1;
	v11 =	vmul.f32 v11, v11;
	[tilespmem:s11+$0x12070] =	vst v5  }
0x94: {  	[tilespmem:s10+$0x12010] =	vst v4;
	v4 =	vmul.f32 v8, v8  }
0x95: {  	v5 =	vadd.f32 v12, v9;
	[tilespmem:s10+$0x12020] =	vst v11;
	v6 =	vmul.f32 v6, v6  }
0x96: {  	[tilespmem:s10+$0x12030] =	vst v4;
	v4 =	vmul.f32 v7, v7  }
0x97: {  	v5 =	vsel vm0, v9, v5;
	[tilespmem:s10+$0x12040] =	vst v6  }
0x98: {  	v3 =	vmul.f32 v3, v3;
	v5 =	vsel vm1, $0x3F800000, v5;
	[tilespmem:s10+$0x12050] =	vst v4  }
0x99: {  	v4 =	vmul.f32 v10, v10;
	[tilespmem:s10+$0x12000] =	vst v5  }
0x9a: {  	[tilespmem:s10+$0x12060] =	vst v3  }
0x9b: {  	s14 =	simm.s32 $0x12000;
	[tilespmem:s10+$0x12070] =	vst v4  }
0x9c: {  	[spmem:s3] =	stream.indirect.scatter.add.f32 [tilespmem:s14], [sflag:$0x8], $0x80, s19, s28, $0xb8;
	[tilespmem:$0x1E200] =	vst v63  }
0x9d: {  	_ =	swait.ge [sflag:s2], $0x4000  }
0x9e: {  	[sflag:s2] =	ssyncset.done $0x0  }
0x9f: {  	s11 =	simm.s32 $0x0;
	[sflag:s2] =	ssyncadd.s32 $0xFFFFC000  }
0xa0: {  	[spmem:s1] =	stream.indirect.scatter.add.f32 [tilespmem:s25], [sflag:$0x6], $0x80, s20, s28, $0xb8;
	[tilespmem:$0x1E200] =	vst v63  }
0xa1: {  	v3 =	vld [tilespmem:s11+$0xA000]  }
0xa2: {  	v4 =	vld [tilespmem:s11+$0xA010]  }
0xa3: {  	v5 =	vld [tilespmem:s11+$0xA020]  }
0xa4: {  	v8 =	vld [tilespmem:s11+$0xA030]  }
0xa5: {  	v6 =	vld [tilespmem:s11+$0xA040]  }
0xa6: {  	v7 =	vld [tilespmem:s11+$0xA050];
	v3 =	vmul.f32 v3, v3  }
0xa7: {  	v10 =	vmul.f32 v4, v4;
	v4 =	vld [tilespmem:s11+$0xA060]  }
0xa8: {  	s10 =	simm.s32 $0x80;
	s14 =	simm.s32 $0x400;
	v11 =	vmul.f32 v5, v5;
	v5 =	vld [tilespmem:s11+$0xA070];
	v9 =	vperm.xlane v3, v1  }
.LBB2_8:
0xa9: {  	p0 =	sne.s32 s14, $0xFE00;
	v12 =	vld [tilespmem:s10+$0xA000];
	[tilespmem:s11+$0x16010] =	vst v10;
	v8 =	vmul.f32 v8, v8  }
0xaa: {  	v10 =	vld [tilespmem:s10+$0xA010];
	v9 =	vadd.f32 v9, v3;
	[tilespmem:s11+$0x16020] =	vst v11;
	v6 =	vmul.f32 v6, v6  }
0xab: {  	v11 =	vld [tilespmem:s10+$0xA020];
	[tilespmem:s11+$0x16030] =	vst v8;
	v7 =	vmul.f32 v7, v7  }
.Ltmp3:
0xac: {  	vm1 =	veq.s32 v2, $0x0;
	v8 =	vld [tilespmem:s10+$0xA030];
	v3 =	vsel vm0, v3, v9;
	[tilespmem:s11+$0x16040] =	vst v6;
	v9 =	vmul.f32 v4, v4;
	(pc) =	sbr.rel @p0 .LBB2_8-.Ltmp3, $4  }
0xad: {  	v6 =	vld [tilespmem:s10+$0xA040];
	v4 =	vsel vm1, $0x3F800000, v3;
	[tilespmem:s11+$0x16050] =	vst v7;
	v13 =	vmul.f32 v5, v5  }
0xae: {  	v3 =	vmul.f32 v12, v12;
	v7 =	vld [tilespmem:s10+$0xA050];
	[tilespmem:s11+$0x16000] =	vst v4  }
0xaf: {  	v10 =	vmul.f32 v10, v10;
	v4 =	vld [tilespmem:s10+$0xA060];
	[tilespmem:s11+$0x16060] =	vst v9  }
0xb0: {  	v9 =	vperm.xlane v3, v1;
	v11 =	vmul.f32 v11, v11;
	v5 =	vld [tilespmem:s10+$0xA070];
	[tilespmem:s11+$0x16070] =	vst v13;
	s11 =	smov.u32 s10;
	s10 =	sshra.s32 s14, $0x2;
	s14 =	sadd.s32 $0x200, s14  }
0xb1: {  	v12 =	vld [tilespmem:s10+$0xA000];
	[tilespmem:s11+$0x16010] =	vst v10;
	v8 =	vmul.f32 v8, v8  }
0xb2: {  	v10 =	vld [tilespmem:s10+$0xA010];
	[tilespmem:s11+$0x16020] =	vst v11;
	v6 =	vmul.f32 v6, v6;
	v9 =	vadd.f32 v9, v3  }
0xb3: {  	v11 =	vld [tilespmem:s10+$0xA020];
	[tilespmem:s11+$0x16030] =	vst v8;
	v7 =	vmul.f32 v7, v7  }
0xb4: {  	v8 =	vld [tilespmem:s10+$0xA030];
	[tilespmem:s11+$0x16040] =	vst v6;
	v3 =	vsel vm0, v3, v9  }
0xb5: {  	v4 =	vmul.f32 v4, v4;
	v6 =	vld [tilespmem:s10+$0xA040];
	[tilespmem:s11+$0x16050] =	vst v7;
	v3 =	vsel vm1, $0x3F800000, v3  }
0xb6: {  	v5 =	vmul.f32 v5, v5;
	v7 =	vld [tilespmem:s10+$0xA050];
	[tilespmem:s11+$0x16000] =	vst v3;
	v9 =	vmul.f32 v12, v12  }
0xb7: {  	v3 =	vld [tilespmem:s10+$0xA060];
	[tilespmem:s11+$0x16060] =	vst v4;
	v4 =	vmul.f32 v10, v10  }
0xb8: {  	v10 =	vld [tilespmem:s10+$0xA070];
	v12 =	vperm.xlane v9, v1;
	v11 =	vmul.f32 v11, v11;
	[tilespmem:s11+$0x16070] =	vst v5  }
0xb9: {  	[tilespmem:s10+$0x16010] =	vst v4;
	v4 =	vmul.f32 v8, v8  }
0xba: {  	v5 =	vadd.f32 v12, v9;
	[tilespmem:s10+$0x16020] =	vst v11;
	v6 =	vmul.f32 v6, v6  }
0xbb: {  	[tilespmem:s10+$0x16030] =	vst v4;
	v4 =	vmul.f32 v7, v7  }
0xbc: {  	v5 =	vsel vm0, v9, v5;
	[tilespmem:s10+$0x16040] =	vst v6  }
0xbd: {  	v3 =	vmul.f32 v3, v3;
	v5 =	vsel vm1, $0x3F800000, v5;
	[tilespmem:s10+$0x16050] =	vst v4  }
0xbe: {  	v4 =	vmul.f32 v10, v10;
	[tilespmem:s10+$0x16000] =	vst v5  }
0xbf: {  	[tilespmem:s10+$0x16060] =	vst v3  }
0xc0: {  	s14 =	simm.s32 $0x16000;
	[tilespmem:s10+$0x16070] =	vst v4  }
0xc1: {  	[spmem:s3] =	stream.indirect.scatter.add.f32 [tilespmem:s14], [sflag:$0x9], $0x80, s20, s28, $0xb8;
	[tilespmem:$0x1E200] =	vst v63  }
0xc2: {  	_ =	swait.ge [sflag:s26], $0x4000  }
0xc3: {  	[sflag:s26] =	ssyncset.done $0x0  }
0xc4: {  	s11 =	simm.s32 $0x0;
	[sflag:s26] =	ssyncadd.s32 $0xFFFFC000  }
0xc5: {  	[spmem:s1] =	stream.indirect.scatter.add.f32 [tilespmem:s23], [sflag:$0x4], $0x80, s21, s28, $0xb8;
	[tilespmem:$0x1E200] =	vst v63  }
0xc6: {  	v3 =	vld [tilespmem:s11+$0x2000]  }
0xc7: {  	v4 =	vld [tilespmem:s11+$0x2010]  }
0xc8: {  	v5 =	vld [tilespmem:s11+$0x2020]  }
0xc9: {  	v8 =	vld [tilespmem:s11+$0x2030]  }
0xca: {  	v6 =	vld [tilespmem:s11+$0x2040]  }
0xcb: {  	v7 =	vld [tilespmem:s11+$0x2050];
	v3 =	vmul.f32 v3, v3  }
0xcc: {  	v10 =	vmul.f32 v4, v4;
	v4 =	vld [tilespmem:s11+$0x2060]  }
0xcd: {  	s10 =	simm.s32 $0x80;
	s14 =	simm.s32 $0x400;
	v11 =	vmul.f32 v5, v5;
	v5 =	vld [tilespmem:s11+$0x2070];
	v9 =	vperm.xlane v3, v1  }
.LBB2_10:
0xce: {  	p0 =	sne.s32 s14, $0xFE00;
	v12 =	vld [tilespmem:s10+$0x2000];
	[tilespmem:s11+$0xE010] =	vst v10;
	v8 =	vmul.f32 v8, v8  }
0xcf: {  	v10 =	vld [tilespmem:s10+$0x2010];
	v9 =	vadd.f32 v9, v3;
	[tilespmem:s11+$0xE020] =	vst v11;
	v6 =	vmul.f32 v6, v6  }
0xd0: {  	v11 =	vld [tilespmem:s10+$0x2020];
	[tilespmem:s11+$0xE030] =	vst v8;
	v7 =	vmul.f32 v7, v7  }
.Ltmp4:
0xd1: {  	vm1 =	veq.s32 v2, $0x0;
	v8 =	vld [tilespmem:s10+$0x2030];
	v3 =	vsel vm0, v3, v9;
	[tilespmem:s11+$0xE040] =	vst v6;
	v9 =	vmul.f32 v4, v4;
	(pc) =	sbr.rel @p0 .LBB2_10-.Ltmp4, $4  }
0xd2: {  	v6 =	vld [tilespmem:s10+$0x2040];
	v4 =	vsel vm1, $0x3F800000, v3;
	[tilespmem:s11+$0xE050] =	vst v7;
	v13 =	vmul.f32 v5, v5  }
0xd3: {  	v3 =	vmul.f32 v12, v12;
	v7 =	vld [tilespmem:s10+$0x2050];
	[tilespmem:s11+$0xE000] =	vst v4  }
0xd4: {  	v10 =	vmul.f32 v10, v10;
	v4 =	vld [tilespmem:s10+$0x2060];
	[tilespmem:s11+$0xE060] =	vst v9  }
0xd5: {  	v9 =	vperm.xlane v3, v1;
	v11 =	vmul.f32 v11, v11;
	v5 =	vld [tilespmem:s10+$0x2070];
	[tilespmem:s11+$0xE070] =	vst v13;
	s11 =	smov.u32 s10;
	s10 =	sshra.s32 s14, $0x2;
	s14 =	sadd.s32 $0x200, s14  }
0xd6: {  	v12 =	vld [tilespmem:s10+$0x2000];
	[tilespmem:s11+$0xE010] =	vst v10;
	v8 =	vmul.f32 v8, v8  }
0xd7: {  	v10 =	vld [tilespmem:s10+$0x2010];
	[tilespmem:s11+$0xE020] =	vst v11;
	v6 =	vmul.f32 v6, v6;
	v9 =	vadd.f32 v9, v3  }
0xd8: {  	v11 =	vld [tilespmem:s10+$0x2020];
	[tilespmem:s11+$0xE030] =	vst v8;
	v7 =	vmul.f32 v7, v7  }
0xd9: {  	v8 =	vld [tilespmem:s10+$0x2030];
	[tilespmem:s11+$0xE040] =	vst v6;
	v3 =	vsel vm0, v3, v9  }
0xda: {  	v4 =	vmul.f32 v4, v4;
	v6 =	vld [tilespmem:s10+$0x2040];
	[tilespmem:s11+$0xE050] =	vst v7;
	v3 =	vsel vm1, $0x3F800000, v3  }
0xdb: {  	v5 =	vmul.f32 v5, v5;
	v7 =	vld [tilespmem:s10+$0x2050];
	[tilespmem:s11+$0xE000] =	vst v3;
	v57 =	vmul.f32 v12, v12  }
0xdc: {  	v3 =	vld [tilespmem:s10+$0x2060];
	[tilespmem:s11+$0xE060] =	vst v4;
	v58 =	vmul.f32 v10, v10  }
0xdd: {  	v59 =	vld [tilespmem:s10+$0x2070];
	v12 =	vperm.xlane v57, v1;
	v11 =	vmul.f32 v11, v11;
	[tilespmem:s11+$0xE070] =	vst v5  }
0xde: {  	[tilespmem:s10+$0xE010] =	vst v58;
	v60 =	vmul.f32 v8, v8  }
0xdf: {  	v61 =	vadd.f32 v12, v57;
	[tilespmem:s10+$0xE020] =	vst v11;
	v6 =	vmul.f32 v6, v6  }
0xe0: {  	[tilespmem:s10+$0xE030] =	vst v60;
	v62 =	vmul.f32 v7, v7  }
0xe1: {  	v5 =	vsel vm0, v57, v61;
	[tilespmem:s10+$0xE040] =	vst v6  }
0xe2: {  	v3 =	vmul.f32 v3, v3;
	v5 =	vsel vm1, $0x3F800000, v5;
	[tilespmem:s10+$0xE050] =	vst v62  }
0xe3: {  	v63 =	vmul.f32 v59, v59;
	[tilespmem:s10+$0xE000] =	vst v5  }
0xe4: {  	[tilespmem:s10+$0xE060] =	vst v3  }
0xe5: {  	[tilespmem:s10+$0xE070] =	vst v63  }
0xe6: {  	[spmem:s3] =	stream.indirect.scatter.add.f32 [tilespmem:s29], [sflag:$0x7], $0x80, s21, s28, $0xb8;
	[tilespmem:$0x1E200] =	vst v63  }
0xe7: {  	_ =	swait.ge [sflag:s5], $0x4000  }
0xe8: {  	[sflag:s5] =	ssyncset.done $0x0  }
0xe9: {  	[sflag:s5] =	ssyncadd.s32 $0xFFFFC000  }
0xea: {  	_ =	swait.ge [sflag:s6], $0x4000  }
0xeb: {  	[sflag:s6] =	ssyncset.done $0x0  }
0xec: {  	[sflag:s6] =	ssyncadd.s32 $0xFFFFC000  }
0xed: {  	_ =	swait.ge [sflag:s7], $0x4000  }
0xee: {  	[sflag:s7] =	ssyncset.done $0x0  }
0xef: {  	[sflag:s7] =	ssyncadd.s32 $0xFFFFC000  }
0xf0: {  	_ =	swait.ge [sflag:s8], $0x4000  }
0xf1: {  	[sflag:s8] =	ssyncset.done $0x0  }
0xf2: {  	[sflag:s8] =	ssyncadd.s32 $0xFFFFC000  }
0xf3: {  	_ =	swait.ge [sflag:s30], $0x4000  }
0xf4: {  	[sflag:s30] =	ssyncset.done $0x0  }
0xf5: {  	[sflag:s30] =	ssyncadd.s32 $0xFFFFC000  }
0xf6: {  	_ =	swait.ge [sflag:s31], $0x4000  }
0xf7: {  	s11 =	stileid.u32;
	[sflag:s31] =	ssyncset.done $0x0  }
0xf8: {  	s10 =	sshll.u32 s11, $0x6;
	[sflag:s31] =	ssyncadd.s32 $0xFFFFC000  }
0xf9: {  	s14 =	sshrl.u32 s12, $0x3;
	s10 =	sor.u32 $0x1C0A, s10;
	[bflag:$0x0] =	sbarrier.arrive $0xFFFF  }
0xfa: {  	[hbm:s15], [sflag:s10] =	dma.local [spmem:s14], $0x400  }
0xfb: {  	s9 =	sadd.s32 $0x1, s9;
	_ =	swait.ge [sflag:s18], $0x400  }
0xfc: {  	p0 =	sne.s32 s9, s22;
	[sflag:s18] =	ssyncset.done $0x0  }
.Ltmp5:
0xfd: {  	s14 =	sshrl.u32 s13, $0x3;
	[sflag:s18] =	ssyncadd.s32 $0xFFFFFC00;
	(pc) =	sbr.rel @p0 .LBB2_1-.Ltmp5, $4  }
0xfe: {  	[hbm:s16], [sflag:s10] =	dma.local [spmem:s14], $0x400  }
0xff: {  	_ =	swait.ge [sflag:s18], $0x400  }
0x100: {  	[sflag:s18] =	ssyncset.done $0x0  }
0x101: {  	[sflag:s18] =	ssyncadd.s32 $0xFFFFFC00  }
0x102: {  	_ =	sfence.sel $0x180000  }
0x103: {  	[bflag:$0x0] =	sbarrier.arrive $0xFFFF  }
0x104: {  	_ =	strace $0x90000047  }
0x105: {  	s0 =	stileid.u32;
	[bflag:$0x2] =	sbarrier.arrive $0xFFFF  }
0x106: {  	p0 =	sne.s32 s0, $0x0;
	s0 =	rddreg [dreg:$0x5]  }
0x107: {  	s0 =	sadd.s32 @!p0 $0x100000, s0  }
0x108: {  	[sflag:s0] =	ssyncadd.tile.s32 @!p0 $0x1;
	_ =	shalt  }
.Lfunc_end2:
_tile_overlayer_lowered:
.L_overlay_start_2:
0x109: {  	(tag) =	ssettag $0x2  }
0x10a: {  	s0 =	rddreg [dreg:$0x0];
	s2 =	stileid.u32  }
0x10b: {  	s1 =	rddreg [dreg:$0x1];
	p0 =	sne.s32 s2, $0x0  }
0x10c: {  	s3 =	rddreg [dreg:$0x2];
	[bflag:$0x3] =	sbarrier.arrive $0xFFFF;
	s2 =	simm.s32 @!p0 $0x1C0A  }
0x10d: {  	[timem:s3], [sflag:s2] =	dma.local @!p0 [hbm:s0], s1  }
0x10e: {  	s0 =	simm.s32 @!p0 $0xA  }
0x10f: {  	_ =	swait.ge @!p0 [sflag:s0], s1  }
0x110: {  	s1 =	ssub.s32 @!p0 $0x0, s1;
	[sflag:s0] =	ssyncset.done @!p0 $0x0  }
0x111: {  	[sflag:s0] =	ssyncadd.s32 @!p0 s1  }
0x112: {  	[bflag:$0x3] =	sbarrier.arrive $0xFFFF  }
0x113: {  	_ =	shalt  }

</sc_bundles>
